<compile_context>
chip_gen: v7x
topology: tpu7x:2x2x1
jax: 0.10.2.dev20260603
libtpu: 0.0.44.dev20260713+nightly
codegen_flags: <defaults>
</compile_context>

<pallas_src>
import jax
import jax.numpy as jnp
from jax import lax
from jax.experimental import pallas as pl
from jax.experimental.pallas import tpu as pltpu
from jax.experimental.pallas import tpu_sc as plsc

_B, _N, _M = 8, 4096, 256
_KEYMASK = ~0xFFF
_IDXMASK = 0xFFF
_KEYMAX = 0x7FFFFFFF

_NW = 32
_SLOTS = _B * _M * 2
_SPW = _SLOTS // _NW
_LANES = 16


def _tc_body(shapeT_ref, skel_ref, out_cd, out_idx, cda):
    b = pl.program_id(0)

    pt = shapeT_ref[0]
    px, py, pz = pt[0:1, :], pt[1:2, :], pt[2:3, :]
    sk = skel_ref[0]
    sx, sy, sz = sk[:, 0:1], sk[:, 1:2], sk[:, 2:3]

    dxx = sx - px
    dyy = sy - py
    dzz = sz - pz
    d2m = dxx * dxx + dyy * dyy + dzz * dzz

    c1 = jnp.min(d2m, axis=0, keepdims=True)
    cd_part = jnp.sum(jnp.sqrt(c1 + 1e-12), keepdims=True).reshape(1, 1)

    ri = lax.broadcasted_iota(jnp.int32, (_M, _N), 1)
    key = (lax.bitcast_convert_type(d2m, jnp.int32) & _KEYMASK) | ri
    bk1 = jnp.min(key, axis=1, keepdims=True)
    mk = jnp.where(key == bk1, _KEYMAX, key)
    bk2 = jnp.min(mk, axis=1, keepdims=True)

    d2best = lax.bitcast_convert_type(bk1 & _KEYMASK, jnp.float32)
    cd2v = jnp.sum(jnp.sqrt(d2best + 1e-12), keepdims=True).reshape(1, 1)
    total = cd_part + cd2v

    out_idx[0, :, 0:1] = bk1 & _IDXMASK
    out_idx[0, :, 1:2] = bk2 & _IDXMASK

    @pl.when(b == 0)
    def _first():
        cda[...] = total

    @pl.when(b != 0)
    def _rest():
        cda[...] = cda[...] + total

    @pl.when(b == _B - 1)
    def _emit():
        out_cd[...] = cda[...]


def _tc_call(shapeT, skel_xyz):
    return pl.pallas_call(
        _tc_body,
        grid=(_B,),
        in_specs=[
            pl.BlockSpec((1, 6, _N), lambda b: (b, 0, 0)),
            pl.BlockSpec((1, _M, 3), lambda b: (b, 0, 0)),
        ],
        out_specs=[
            pl.BlockSpec((1, 1), lambda b: (0, 0)),
            pl.BlockSpec((1, _M, 2), lambda b: (b, 0, 0)),
        ],
        out_shape=[
            jax.ShapeDtypeStruct((1, 1), jnp.float32),
            jax.ShapeDtypeStruct((_B, _M, 2), jnp.int32),
        ],
        scratch_shapes=[
            pltpu.VMEM((1, 1), jnp.float32),
        ],
    )(shapeT, skel_xyz)


def _sc_body(shape_hbm, idx_hbm, nori_hbm, out_hbm,
             pts_v, idx_v, nori_v, acc_v, sem):
    cid = lax.axis_index("c")
    sid = lax.axis_index("s")
    wid = cid * 16 + sid
    b = wid >> 2
    m0 = (wid & 3) * (_SPW // 2)
    stage = pltpu.async_copy(
        shape_hbm.at[pl.ds(b * (_N * 6), _N * 6)], pts_v, sem)
    pltpu.sync_copy(idx_hbm.at[wid], idx_v)
    pltpu.sync_copy(nori_hbm.at[pl.ds(b * (_M * 3), _M * 3)], nori_v)
    stage.wait()
    acc = jnp.zeros((_LANES,), jnp.float32)
    ids0 = lax.broadcasted_iota(jnp.int32, (_LANES,), 0)
    half = lax.shift_right_logical(ids0, 1)
    for j in range(_SPW // _LANES):
        sl = pl.ds(j * _LANES, _LANES)
        r = idx_v[sl] * 6 + 3
        nx = plsc.load_gather(pts_v, [r])
        ny = plsc.load_gather(pts_v, [r + 1])
        nz = plsc.load_gather(pts_v, [r + 2])
        mi = (m0 + 8 * j + half) * 3
        ox = plsc.load_gather(nori_v, [mi])
        oy = plsc.load_gather(nori_v, [mi + 1])
        oz = plsc.load_gather(nori_v, [mi + 2])
        acc = acc + jnp.abs(nx * ox + ny * oy + nz * oz)
    acc_v[...] = acc
    pltpu.sync_copy(acc_v, out_hbm.at[wid])


def _sc_call(shape_flat, idx_w, nori_flat):
    return pl.kernel(
        _sc_body,
        out_type=jax.ShapeDtypeStruct((_NW, _LANES), jnp.float32),
        mesh=plsc.VectorSubcoreMesh(core_axis_name="c", subcore_axis_name="s"),
        compiler_params=pltpu.CompilerParams(needs_layout_passes=False),
        scratch_types=[
            pltpu.VMEM((_N * 6,), jnp.float32),
            pltpu.VMEM((_SPW,), jnp.int32),
            pltpu.VMEM((_M * 3,), jnp.float32),
            pltpu.VMEM((_LANES,), jnp.float32),
            pltpu.SemaphoreType.DMA,
        ],
    )(shape_flat, idx_w, nori_flat)


def kernel(shape_xyz, skel_xyz, skel_nori):
    shapeT = jnp.transpose(shape_xyz, (0, 2, 1))
    cd_raw, idx = _tc_call(shapeT, skel_xyz)

    idx_w = idx.reshape(_NW, _SPW)
    shape_flat = shape_xyz.reshape(_B * _N * 6)
    nori_flat = skel_nori.reshape(_B * _M * 3)

    parts = _sc_call(shape_flat, idx_w, nori_flat)
    return cd_raw[0, 0] * 1e-4 + 0.001 * (jnp.sum(parts) / (2.0 * _B))

# --- scband reference (transcript-rebuilt; emitter-appended) ---
"""Pipeline reference for scband-get-loss-pre-4973572129196 (READ-ONLY COPY).

The authoritative reference and input builder live on the scoring server;
editing this copy changes nothing except your own understanding.
"""

import jax, jax.numpy as jnp
import numpy as np


def setup_inputs(seed: int = 0) -> dict:
    key = jax.random.key(seed)
    k1, k2, k3 = jax.random.split(key, 3)
    shape_xyz = jax.random.normal(k1, (8, 4096, 6), dtype=jnp.float32)
    skel_xyz = jax.random.normal(k2, (8, 256, 3), dtype=jnp.float32)
    skel_nori = jax.random.normal(k3, (8, 256, 3), dtype=jnp.float32)
    return {"shape_xyz": shape_xyz, "skel_xyz": skel_xyz, "skel_nori": skel_nori}


def _pairwise_dist(p1, p2):
    # p1: [B, N1, 3], p2: [B, N2, 3] -> [B, N1, N2] euclidean distances
    diff = p1[:, :, None, :] - p2[:, None, :, :]
    return jnp.sqrt(jnp.sum(diff * diff, axis=-1) + 1e-12)


def _closest_distance_with_batch(p1, p2):
    # sum over all points of min L2 distance to the other set (DF.closest_distance_with_batch, is_sum=True)
    d = _pairwise_dist(p1, p2)
    return jnp.sum(jnp.min(d, axis=2))


def reference(shape_xyz, skel_xyz, skel_nori):
    normal = shape_xyz[:, :, 3:6]
    pts = shape_xyz[:, :, :3]
    cd1 = _closest_distance_with_batch(pts, skel_xyz)
    cd2 = _closest_distance_with_batch(skel_xyz, pts)
    loss_cd = (cd1 + cd2) * 0.0001
    # exact kNN (k=2) from each skeletal point into the shape point cloud
    d = _pairwise_dist(skel_xyz, pts)  # [B, M, N]
    _, idx = jax.lax.top_k(-d, 2)       # [B, M, 2] indices into N
    # gather the normals of the 2 nearest shape points per skeletal point
    def _gather_b(nrm, ix):
        return nrm[ix]  # [M, 2, 3]
    nn_normals = jax.vmap(_gather_b)(normal, idx)  # [B, M, 2, 3]
    # |dot(skel_nori, neighbor_normal)| averaged over k, summed over (B, M), divided by B
    dots = jnp.abs(jnp.sum(skel_nori[:, :, None, :] * nn_normals, axis=-1))  # [B, M, 2]
    loss_normal = jnp.sum(jnp.mean(dots, axis=-1)) / skel_xyz.shape[0]
    return loss_cd + 0.001 * loss_normal

if __name__ == "__main__":
    import jax
    _d = setup_inputs()
    print(jax.jit(kernel)(*tuple(_d.values())))

</pallas_src>

<mosaic_0001>
#map = affine_map<(d0, d1) -> (0)>
#map1 = affine_map<(d0, d1) -> (0, 0)>
module attributes {stable_mosaic.version = 14 : i64} {
  func.func @_sc_body(%arg0: i32, %arg1: i32, %arg2: memref<196608xf32, #tpu.memory_space<hbm>>, %arg3: memref<32x128xi32, #tpu.memory_space<hbm>>, %arg4: memref<6144xf32, #tpu.memory_space<hbm>>, %arg5: memref<32x16xf32, #tpu.memory_space<hbm>>, %arg6: memref<24576xf32, #tpu.memory_space<vmem>>, %arg7: memref<128xi32, #tpu.memory_space<vmem>>, %arg8: memref<768xf32, #tpu.memory_space<vmem>>, %arg9: memref<16xf32, #tpu.memory_space<vmem>>, %arg10: memref<!tpu.dma_semaphore, #tpu.memory_space<semaphore_mem>>) attributes {dimension_semantics = [#tpu.dimension_semantics<core_parallel>, #tpu.dimension_semantics<subcore_parallel>], iteration_bounds = array<i64: 2, 16>, scalar_prefetch = 0 : i64, scratch_operands = 5 : i64, tpu.core_type = #tpu.core_type<sc_vector_subcore>, window_params = [{transform_indices = #map}, {transform_indices = #map1}, {transform_indices = #map}, {transform_indices = #map1}]} {
    %mul3A = arith.constant 16 : i32
    %mul3A_0 = arith.muli %arg0, %mul3A : i32
    %add3A = arith.addi %mul3A_0, %arg1 : i32
    %shift_right_arithmetic3A = arith.constant 2 : i32
    %shift_right_arithmetic3A_1 = arith.shrsi %add3A, %shift_right_arithmetic3A : i32
    %and3A = arith.constant 3 : i32
    %and3A_2 = arith.andi %add3A, %and3A : i32
    %mul3A_3 = arith.constant 64 : i32
    %mul3A_4 = arith.muli %and3A_2, %mul3A_3 : i32
    %mul3A_5 = arith.constant 24576 : i32
    %mul3A_6 = arith.muli %shift_right_arithmetic3A_1, %mul3A_5 : i32
    %dma_start3A = tpu.memref_slice %arg2[%mul3A_6] : memref<196608xf32, #tpu.memory_space<hbm>> -> memref<24576xf32, #tpu.memory_space<hbm>>
    %dma_start3A_7 = tpu.memref_slice %arg2[%mul3A_6] : memref<196608xf32, #tpu.memory_space<hbm>> -> memref<24576xf32, #tpu.memory_space<hbm>>
    tpu.enqueue_dma source(%dma_start3A_7 : memref<24576xf32, #tpu.memory_space<hbm>>) target(%arg6 : memref<24576xf32, #tpu.memory_space<vmem>>) target_semaphore(%arg10 : memref<!tpu.dma_semaphore, #tpu.memory_space<semaphore_mem>>)
    "tpu.region"() ({
      %run_scoped3A = tpu.sem_alloc : memref<!tpu.dma_semaphore, #tpu.memory_space<semaphore_mem>>
      %dma_start3A_332 = arith.constant 0 : i32
      %dma_start3A_333 = tpu.memref_slice %arg3[%add3A, %dma_start3A_332] : memref<32x128xi32, #tpu.memory_space<hbm>> -> memref<1x128xi32, #tpu.memory_space<hbm>>
      %dma_start3A_334 = tpu.memref_squeeze %dma_start3A_333 : memref<1x128xi32, #tpu.memory_space<hbm>> -> memref<128xi32, #tpu.memory_space<hbm>>
      %dma_start3A_335 = arith.constant 0 : i32
      %dma_start3A_336 = tpu.memref_slice %arg3[%add3A, %dma_start3A_335] : memref<32x128xi32, #tpu.memory_space<hbm>> -> memref<1x128xi32, #tpu.memory_space<hbm>>
      %dma_start3A_337 = tpu.memref_squeeze %dma_start3A_336 : memref<1x128xi32, #tpu.memory_space<hbm>> -> memref<128xi32, #tpu.memory_space<hbm>>
      tpu.enqueue_dma source(%dma_start3A_337 : memref<128xi32, #tpu.memory_space<hbm>>) target(%arg7 : memref<128xi32, #tpu.memory_space<vmem>>) target_semaphore(%run_scoped3A : memref<!tpu.dma_semaphore, #tpu.memory_space<semaphore_mem>>)
      %dma_wait3A_338 = arith.constant 0 : i32
      %dma_wait3A_339 = tpu.memref_slice %arg3[%add3A, %dma_wait3A_338] : memref<32x128xi32, #tpu.memory_space<hbm>> -> memref<1x128xi32, #tpu.memory_space<hbm>>
      %dma_wait3A_340 = tpu.memref_squeeze %dma_wait3A_339 : memref<1x128xi32, #tpu.memory_space<hbm>> -> memref<128xi32, #tpu.memory_space<hbm>>
      %dma_wait3A_341 = arith.constant 0 : i32
      %dma_wait3A_342 = tpu.memref_slice %arg3[%add3A, %dma_wait3A_341] : memref<32x128xi32, #tpu.memory_space<hbm>> -> memref<1x128xi32, #tpu.memory_space<hbm>>
      %dma_wait3A_343 = tpu.memref_squeeze %dma_wait3A_342 : memref<1x128xi32, #tpu.memory_space<hbm>> -> memref<128xi32, #tpu.memory_space<hbm>>
      tpu.wait_dma2 semaphore(%run_scoped3A : memref<!tpu.dma_semaphore, #tpu.memory_space<semaphore_mem>>) src(%dma_wait3A_343 : memref<128xi32, #tpu.memory_space<hbm>>) dst(%arg7 : memref<128xi32, #tpu.memory_space<vmem>>)
      tpu.yield
    }) : () -> ()
    %mul3A_8 = arith.constant 768 : i32
    %mul3A_9 = arith.muli %shift_right_arithmetic3A_1, %mul3A_8 : i32
    "tpu.region"() ({
      %run_scoped3A = tpu.sem_alloc : memref<!tpu.dma_semaphore, #tpu.memory_space<semaphore_mem>>
      %dma_start3A_332 = tpu.memref_slice %arg4[%mul3A_9] : memref<6144xf32, #tpu.memory_space<hbm>> -> memref<768xf32, #tpu.memory_space<hbm>>
      %dma_start3A_333 = tpu.memref_slice %arg4[%mul3A_9] : memref<6144xf32, #tpu.memory_space<hbm>> -> memref<768xf32, #tpu.memory_space<hbm>>
      tpu.enqueue_dma source(%dma_start3A_333 : memref<768xf32, #tpu.memory_space<hbm>>) target(%arg8 : memref<768xf32, #tpu.memory_space<vmem>>) target_semaphore(%run_scoped3A : memref<!tpu.dma_semaphore, #tpu.memory_space<semaphore_mem>>)
      %dma_wait3A_334 = tpu.memref_slice %arg4[%mul3A_9] : memref<6144xf32, #tpu.memory_space<hbm>> -> memref<768xf32, #tpu.memory_space<hbm>>
      %dma_wait3A_335 = tpu.memref_slice %arg4[%mul3A_9] : memref<6144xf32, #tpu.memory_space<hbm>> -> memref<768xf32, #tpu.memory_space<hbm>>
      tpu.wait_dma2 semaphore(%run_scoped3A : memref<!tpu.dma_semaphore, #tpu.memory_space<semaphore_mem>>) src(%dma_wait3A_335 : memref<768xf32, #tpu.memory_space<hbm>>) dst(%arg8 : memref<768xf32, #tpu.memory_space<vmem>>)
      tpu.yield
    }) : () -> ()
    %dma_wait3A = tpu.memref_slice %arg2[%mul3A_6] : memref<196608xf32, #tpu.memory_space<hbm>> -> memref<24576xf32, #tpu.memory_space<hbm>>
    %dma_wait3A_10 = tpu.memref_slice %arg2[%mul3A_6] : memref<196608xf32, #tpu.memory_space<hbm>> -> memref<24576xf32, #tpu.memory_space<hbm>>
    tpu.wait_dma2 semaphore(%arg10 : memref<!tpu.dma_semaphore, #tpu.memory_space<semaphore_mem>>) src(%dma_wait3A_10 : memref<24576xf32, #tpu.memory_space<hbm>>) dst(%arg6 : memref<24576xf32, #tpu.memory_space<vmem>>)
    %broadcast_in_dim3A = arith.constant 0.000000e+00 : f32
    %broadcast_in_dim3A_11 = vector.broadcast %broadcast_in_dim3A : f32 to vector<16xf32>
    %iota3A = tpu.iota {dimensions = array<i32: 0>} : vector<16xi32>
    %shift_right_logical3A = arith.constant 1 : i32
    %shift_right_logical3A_12 = vector.broadcast %shift_right_logical3A : i32 to vector<16xi32>
    %shift_right_logical3A_13 = arith.shrui %iota3A, %shift_right_logical3A_12 : vector<16xi32>
    %get3A = arith.constant 0 : index
    %get3A_14 = tpu.vector_load %arg7[%get3A] {strides = array<i32>} : memref<128xi32, #tpu.memory_space<vmem>>, vector<16xi32>,
    %mul3A_15 = arith.constant 6 : i32
    %mul3A_16 = vector.broadcast %mul3A_15 : i32 to vector<16xi32>
    %mul3A_17 = arith.muli %get3A_14, %mul3A_16 : vector<16xi32>
    %add3A_18 = arith.constant 3 : i32
    %add3A_19 = vector.broadcast %add3A_18 : i32 to vector<16xi32>
    %add3A_20 = arith.addi %mul3A_17, %add3A_19 : vector<16xi32>
    %gather3A = tpu.vector_load_idx %arg6[%add3A_20] : memref<24576xf32, #tpu.memory_space<vmem>>[vector<16xi32>], vector<16xf32>,
    %add3A_21 = arith.constant 1 : i32
    %add3A_22 = vector.broadcast %add3A_21 : i32 to vector<16xi32>
    %add3A_23 = arith.addi %add3A_20, %add3A_22 : vector<16xi32>
    %gather3A_24 = tpu.vector_load_idx %arg6[%add3A_23] : memref<24576xf32, #tpu.memory_space<vmem>>[vector<16xi32>], vector<16xf32>,
    %add3A_25 = arith.constant 2 : i32
    %add3A_26 = vector.broadcast %add3A_25 : i32 to vector<16xi32>
    %add3A_27 = arith.addi %add3A_20, %add3A_26 : vector<16xi32>
    %gather3A_28 = tpu.vector_load_idx %arg6[%add3A_27] : memref<24576xf32, #tpu.memory_space<vmem>>[vector<16xi32>], vector<16xf32>,
    %add3A_29 = arith.constant 0 : i32
    %add3A_30 = arith.addi %mul3A_4, %add3A_29 : i32
    %add3A_31 = vector.broadcast %add3A_30 : i32 to vector<16xi32>
    %add3A_32 = arith.addi %add3A_31, %shift_right_logical3A_13 : vector<16xi32>
    %mul3A_33 = arith.constant 3 : i32
    %mul3A_34 = vector.broadcast %mul3A_33 : i32 to vector<16xi32>
    %mul3A_35 = arith.muli %add3A_32, %mul3A_34 : vector<16xi32>
    %gather3A_36 = tpu.vector_load_idx %arg8[%mul3A_35] : memref<768xf32, #tpu.memory_space<vmem>>[vector<16xi32>], vector<16xf32>,
    %add3A_37 = arith.constant 1 : i32
    %add3A_38 = vector.broadcast %add3A_37 : i32 to vector<16xi32>
    %add3A_39 = arith.addi %mul3A_35, %add3A_38 : vector<16xi32>
    %gather3A_40 = tpu.vector_load_idx %arg8[%add3A_39] : memref<768xf32, #tpu.memory_space<vmem>>[vector<16xi32>], vector<16xf32>,
    %add3A_41 = arith.constant 2 : i32
    %add3A_42 = vector.broadcast %add3A_41 : i32 to vector<16xi32>
    %add3A_43 = arith.addi %mul3A_35, %add3A_42 : vector<16xi32>
    %gather3A_44 = tpu.vector_load_idx %arg8[%add3A_43] : memref<768xf32, #tpu.memory_space<vmem>>[vector<16xi32>], vector<16xf32>,
    %mul3A_45 = arith.mulf %gather3A, %gather3A_36 : vector<16xf32>
    %mul3A_46 = arith.mulf %gather3A_24, %gather3A_40 : vector<16xf32>
    %add3A_47 = arith.addf %mul3A_45, %mul3A_46 : vector<16xf32>
    %mul3A_48 = arith.mulf %gather3A_28, %gather3A_44 : vector<16xf32>
    %add3A_49 = arith.addf %add3A_47, %mul3A_48 : vector<16xf32>
    %abs3A = math.absf %add3A_49 : vector<16xf32>
    %add3A_50 = arith.addf %broadcast_in_dim3A_11, %abs3A : vector<16xf32>
    %get3A_51 = arith.constant 16 : index
    %get3A_52 = tpu.vector_load %arg7[%get3A_51] {strides = array<i32>} : memref<128xi32, #tpu.memory_space<vmem>>, vector<16xi32>,
    %mul3A_53 = arith.constant 6 : i32
    %mul3A_54 = vector.broadcast %mul3A_53 : i32 to vector<16xi32>
    %mul3A_55 = arith.muli %get3A_52, %mul3A_54 : vector<16xi32>
    %add3A_56 = arith.constant 3 : i32
    %add3A_57 = vector.broadcast %add3A_56 : i32 to vector<16xi32>
    %add3A_58 = arith.addi %mul3A_55, %add3A_57 : vector<16xi32>
    %gather3A_59 = tpu.vector_load_idx %arg6[%add3A_58] : memref<24576xf32, #tpu.memory_space<vmem>>[vector<16xi32>], vector<16xf32>,
    %add3A_60 = arith.constant 1 : i32
    %add3A_61 = vector.broadcast %add3A_60 : i32 to vector<16xi32>
    %add3A_62 = arith.addi %add3A_58, %add3A_61 : vector<16xi32>
    %gather3A_63 = tpu.vector_load_idx %arg6[%add3A_62] : memref<24576xf32, #tpu.memory_space<vmem>>[vector<16xi32>], vector<16xf32>,
    %add3A_64 = arith.constant 2 : i32
    %add3A_65 = vector.broadcast %add3A_64 : i32 to vector<16xi32>
    %add3A_66 = arith.addi %add3A_58, %add3A_65 : vector<16xi32>
    %gather3A_67 = tpu.vector_load_idx %arg6[%add3A_66] : memref<24576xf32, #tpu.memory_space<vmem>>[vector<16xi32>], vector<16xf32>,
    %add3A_68 = arith.constant 8 : i32
    %add3A_69 = arith.addi %mul3A_4, %add3A_68 : i32
    %add3A_70 = vector.broadcast %add3A_69 : i32 to vector<16xi32>
    %add3A_71 = arith.addi %add3A_70, %shift_right_logical3A_13 : vector<16xi32>
    %mul3A_72 = arith.constant 3 : i32
    %mul3A_73 = vector.broadcast %mul3A_72 : i32 to vector<16xi32>
    %mul3A_74 = arith.muli %add3A_71, %mul3A_73 : vector<16xi32>
    %gather3A_75 = tpu.vector_load_idx %arg8[%mul3A_74] : memref<768xf32, #tpu.memory_space<vmem>>[vector<16xi32>], vector<16xf32>,
    %add3A_76 = arith.constant 1 : i32
    %add3A_77 = vector.broadcast %add3A_76 : i32 to vector<16xi32>
    %add3A_78 = arith.addi %mul3A_74, %add3A_77 : vector<16xi32>
    %gather3A_79 = tpu.vector_load_idx %arg8[%add3A_78] : memref<768xf32, #tpu.memory_space<vmem>>[vector<16xi32>], vector<16xf32>,
    %add3A_80 = arith.constant 2 : i32
    %add3A_81 = vector.broadcast %add3A_80 : i32 to vector<16xi32>
    %add3A_82 = arith.addi %mul3A_74, %add3A_81 : vector<16xi32>
    %gather3A_83 = tpu.vector_load_idx %arg8[%add3A_82] : memref<768xf32, #tpu.memory_space<vmem>>[vector<16xi32>], vector<16xf32>,
    %mul3A_84 = arith.mulf %gather3A_59, %gather3A_75 : vector<16xf32>
    %mul3A_85 = arith.mulf %gather3A_63, %gather3A_79 : vector<16xf32>
    %add3A_86 = arith.addf %mul3A_84, %mul3A_85 : vector<16xf32>
    %mul3A_87 = arith.mulf %gather3A_67, %gather3A_83 : vector<16xf32>
    %add3A_88 = arith.addf %add3A_86, %mul3A_87 : vector<16xf32>
    %abs3A_89 = math.absf %add3A_88 : vector<16xf32>
    %add3A_90 = arith.addf %add3A_50, %abs3A_89 : vector<16xf32>
    %get3A_91 = arith.constant 32 : index
    %get3A_92 = tpu.vector_load %arg7[%get3A_91] {strides = array<i32>} : memref<128xi32, #tpu.memory_space<vmem>>, vector<16xi32>,
    %mul3A_93 = arith.constant 6 : i32
    %mul3A_94 = vector.broadcast %mul3A_93 : i32 to vector<16xi32>
    %mul3A_95 = arith.muli %get3A_92, %mul3A_94 : vector<16xi32>
    %add3A_96 = arith.constant 3 : i32
    %add3A_97 = vector.broadcast %add3A_96 : i32 to vector<16xi32>
    %add3A_98 = arith.addi %mul3A_95, %add3A_97 : vector<16xi32>
    %gather3A_99 = tpu.vector_load_idx %arg6[%add3A_98] : memref<24576xf32, #tpu.memory_space<vmem>>[vector<16xi32>], vector<16xf32>,
    %add3A_100 = arith.constant 1 : i32
    %add3A_101 = vector.broadcast %add3A_100 : i32 to vector<16xi32>
    %add3A_102 = arith.addi %add3A_98, %add3A_101 : vector<16xi32>
    %gather3A_103 = tpu.vector_load_idx %arg6[%add3A_102] : memref<24576xf32, #tpu.memory_space<vmem>>[vector<16xi32>], vector<16xf32>,
    %add3A_104 = arith.constant 2 : i32
    %add3A_105 = vector.broadcast %add3A_104 : i32 to vector<16xi32>
    %add3A_106 = arith.addi %add3A_98, %add3A_105 : vector<16xi32>
    %gather3A_107 = tpu.vector_load_idx %arg6[%add3A_106] : memref<24576xf32, #tpu.memory_space<vmem>>[vector<16xi32>], vector<16xf32>,
    %add3A_108 = arith.constant 16 : i32
    %add3A_109 = arith.addi %mul3A_4, %add3A_108 : i32
    %add3A_110 = vector.broadcast %add3A_109 : i32 to vector<16xi32>
    %add3A_111 = arith.addi %add3A_110, %shift_right_logical3A_13 : vector<16xi32>
    %mul3A_112 = arith.constant 3 : i32
    %mul3A_113 = vector.broadcast %mul3A_112 : i32 to vector<16xi32>
    %mul3A_114 = arith.muli %add3A_111, %mul3A_113 : vector<16xi32>
    %gather3A_115 = tpu.vector_load_idx %arg8[%mul3A_114] : memref<768xf32, #tpu.memory_space<vmem>>[vector<16xi32>], vector<16xf32>,
    %add3A_116 = arith.constant 1 : i32
    %add3A_117 = vector.broadcast %add3A_116 : i32 to vector<16xi32>
    %add3A_118 = arith.addi %mul3A_114, %add3A_117 : vector<16xi32>
    %gather3A_119 = tpu.vector_load_idx %arg8[%add3A_118] : memref<768xf32, #tpu.memory_space<vmem>>[vector<16xi32>], vector<16xf32>,
    %add3A_120 = arith.constant 2 : i32
    %add3A_121 = vector.broadcast %add3A_120 : i32 to vector<16xi32>
    %add3A_122 = arith.addi %mul3A_114, %add3A_121 : vector<16xi32>
    %gather3A_123 = tpu.vector_load_idx %arg8[%add3A_122] : memref<768xf32, #tpu.memory_space<vmem>>[vector<16xi32>], vector<16xf32>,
    %mul3A_124 = arith.mulf %gather3A_99, %gather3A_115 : vector<16xf32>
    %mul3A_125 = arith.mulf %gather3A_103, %gather3A_119 : vector<16xf32>
    %add3A_126 = arith.addf %mul3A_124, %mul3A_125 : vector<16xf32>
    %mul3A_127 = arith.mulf %gather3A_107, %gather3A_123 : vector<16xf32>
    %add3A_128 = arith.addf %add3A_126, %mul3A_127 : vector<16xf32>
    %abs3A_129 = math.absf %add3A_128 : vector<16xf32>
    %add3A_130 = arith.addf %add3A_90, %abs3A_129 : vector<16xf32>
    %get3A_131 = arith.constant 48 : index
    %get3A_132 = tpu.vector_load %arg7[%get3A_131] {strides = array<i32>} : memref<128xi32, #tpu.memory_space<vmem>>, vector<16xi32>,
    %mul3A_133 = arith.constant 6 : i32
    %mul3A_134 = vector.broadcast %mul3A_133 : i32 to vector<16xi32>
    %mul3A_135 = arith.muli %get3A_132, %mul3A_134 : vector<16xi32>
    %add3A_136 = arith.constant 3 : i32
    %add3A_137 = vector.broadcast %add3A_136 : i32 to vector<16xi32>
    %add3A_138 = arith.addi %mul3A_135, %add3A_137 : vector<16xi32>
    %gather3A_139 = tpu.vector_load_idx %arg6[%add3A_138] : memref<24576xf32, #tpu.memory_space<vmem>>[vector<16xi32>], vector<16xf32>,
    %add3A_140 = arith.constant 1 : i32
    %add3A_141 = vector.broadcast %add3A_140 : i32 to vector<16xi32>
    %add3A_142 = arith.addi %add3A_138, %add3A_141 : vector<16xi32>
    %gather3A_143 = tpu.vector_load_idx %arg6[%add3A_142] : memref<24576xf32, #tpu.memory_space<vmem>>[vector<16xi32>], vector<16xf32>,
    %add3A_144 = arith.constant 2 : i32
    %add3A_145 = vector.broadcast %add3A_144 : i32 to vector<16xi32>
    %add3A_146 = arith.addi %add3A_138, %add3A_145 : vector<16xi32>
    %gather3A_147 = tpu.vector_load_idx %arg6[%add3A_146] : memref<24576xf32, #tpu.memory_space<vmem>>[vector<16xi32>], vector<16xf32>,
    %add3A_148 = arith.constant 24 : i32
    %add3A_149 = arith.addi %mul3A_4, %add3A_148 : i32
    %add3A_150 = vector.broadcast %add3A_149 : i32 to vector<16xi32>
    %add3A_151 = arith.addi %add3A_150, %shift_right_logical3A_13 : vector<16xi32>
    %mul3A_152 = arith.constant 3 : i32
    %mul3A_153 = vector.broadcast %mul3A_152 : i32 to vector<16xi32>
    %mul3A_154 = arith.muli %add3A_151, %mul3A_153 : vector<16xi32>
    %gather3A_155 = tpu.vector_load_idx %arg8[%mul3A_154] : memref<768xf32, #tpu.memory_space<vmem>>[vector<16xi32>], vector<16xf32>,
    %add3A_156 = arith.constant 1 : i32
    %add3A_157 = vector.broadcast %add3A_156 : i32 to vector<16xi32>
    %add3A_158 = arith.addi %mul3A_154, %add3A_157 : vector<16xi32>
    %gather3A_159 = tpu.vector_load_idx %arg8[%add3A_158] : memref<768xf32, #tpu.memory_space<vmem>>[vector<16xi32>], vector<16xf32>,
    %add3A_160 = arith.constant 2 : i32
    %add3A_161 = vector.broadcast %add3A_160 : i32 to vector<16xi32>
    %add3A_162 = arith.addi %mul3A_154, %add3A_161 : vector<16xi32>
    %gather3A_163 = tpu.vector_load_idx %arg8[%add3A_162] : memref<768xf32, #tpu.memory_space<vmem>>[vector<16xi32>], vector<16xf32>,
    %mul3A_164 = arith.mulf %gather3A_139, %gather3A_155 : vector<16xf32>
    %mul3A_165 = arith.mulf %gather3A_143, %gather3A_159 : vector<16xf32>
    %add3A_166 = arith.addf %mul3A_164, %mul3A_165 : vector<16xf32>
    %mul3A_167 = arith.mulf %gather3A_147, %gather3A_163 : vector<16xf32>
    %add3A_168 = arith.addf %add3A_166, %mul3A_167 : vector<16xf32>
    %abs3A_169 = math.absf %add3A_168 : vector<16xf32>
    %add3A_170 = arith.addf %add3A_130, %abs3A_169 : vector<16xf32>
    %get3A_171 = arith.constant 64 : index
    %get3A_172 = tpu.vector_load %arg7[%get3A_171] {strides = array<i32>} : memref<128xi32, #tpu.memory_space<vmem>>, vector<16xi32>,
    %mul3A_173 = arith.constant 6 : i32
    %mul3A_174 = vector.broadcast %mul3A_173 : i32 to vector<16xi32>
    %mul3A_175 = arith.muli %get3A_172, %mul3A_174 : vector<16xi32>
    %add3A_176 = arith.constant 3 : i32
    %add3A_177 = vector.broadcast %add3A_176 : i32 to vector<16xi32>
    %add3A_178 = arith.addi %mul3A_175, %add3A_177 : vector<16xi32>
    %gather3A_179 = tpu.vector_load_idx %arg6[%add3A_178] : memref<24576xf32, #tpu.memory_space<vmem>>[vector<16xi32>], vector<16xf32>,
    %add3A_180 = arith.constant 1 : i32
    %add3A_181 = vector.broadcast %add3A_180 : i32 to vector<16xi32>
    %add3A_182 = arith.addi %add3A_178, %add3A_181 : vector<16xi32>
    %gather3A_183 = tpu.vector_load_idx %arg6[%add3A_182] : memref<24576xf32, #tpu.memory_space<vmem>>[vector<16xi32>], vector<16xf32>,
    %add3A_184 = arith.constant 2 : i32
    %add3A_185 = vector.broadcast %add3A_184 : i32 to vector<16xi32>
    %add3A_186 = arith.addi %add3A_178, %add3A_185 : vector<16xi32>
    %gather3A_187 = tpu.vector_load_idx %arg6[%add3A_186] : memref<24576xf32, #tpu.memory_space<vmem>>[vector<16xi32>], vector<16xf32>,
    %add3A_188 = arith.constant 32 : i32
    %add3A_189 = arith.addi %mul3A_4, %add3A_188 : i32
    %add3A_190 = vector.broadcast %add3A_189 : i32 to vector<16xi32>
    %add3A_191 = arith.addi %add3A_190, %shift_right_logical3A_13 : vector<16xi32>
    %mul3A_192 = arith.constant 3 : i32
    %mul3A_193 = vector.broadcast %mul3A_192 : i32 to vector<16xi32>
    %mul3A_194 = arith.muli %add3A_191, %mul3A_193 : vector<16xi32>
    %gather3A_195 = tpu.vector_load_idx %arg8[%mul3A_194] : memref<768xf32, #tpu.memory_space<vmem>>[vector<16xi32>], vector<16xf32>,
    %add3A_196 = arith.constant 1 : i32
    %add3A_197 = vector.broadcast %add3A_196 : i32 to vector<16xi32>
    %add3A_198 = arith.addi %mul3A_194, %add3A_197 : vector<16xi32>
    %gather3A_199 = tpu.vector_load_idx %arg8[%add3A_198] : memref<768xf32, #tpu.memory_space<vmem>>[vector<16xi32>], vector<16xf32>,
    %add3A_200 = arith.constant 2 : i32
    %add3A_201 = vector.broadcast %add3A_200 : i32 to vector<16xi32>
    %add3A_202 = arith.addi %mul3A_194, %add3A_201 : vector<16xi32>
    %gather3A_203 = tpu.vector_load_idx %arg8[%add3A_202] : memref<768xf32, #tpu.memory_space<vmem>>[vector<16xi32>], vector<16xf32>,
    %mul3A_204 = arith.mulf %gather3A_179, %gather3A_195 : vector<16xf32>
    %mul3A_205 = arith.mulf %gather3A_183, %gather3A_199 : vector<16xf32>
    %add3A_206 = arith.addf %mul3A_204, %mul3A_205 : vector<16xf32>
    %mul3A_207 = arith.mulf %gather3A_187, %gather3A_203 : vector<16xf32>
    %add3A_208 = arith.addf %add3A_206, %mul3A_207 : vector<16xf32>
    %abs3A_209 = math.absf %add3A_208 : vector<16xf32>
    %add3A_210 = arith.addf %add3A_170, %abs3A_209 : vector<16xf32>
    %get3A_211 = arith.constant 80 : index
    %get3A_212 = tpu.vector_load %arg7[%get3A_211] {strides = array<i32>} : memref<128xi32, #tpu.memory_space<vmem>>, vector<16xi32>,
    %mul3A_213 = arith.constant 6 : i32
    %mul3A_214 = vector.broadcast %mul3A_213 : i32 to vector<16xi32>
    %mul3A_215 = arith.muli %get3A_212, %mul3A_214 : vector<16xi32>
    %add3A_216 = arith.constant 3 : i32
    %add3A_217 = vector.broadcast %add3A_216 : i32 to vector<16xi32>
    %add3A_218 = arith.addi %mul3A_215, %add3A_217 : vector<16xi32>
    %gather3A_219 = tpu.vector_load_idx %arg6[%add3A_218] : memref<24576xf32, #tpu.memory_space<vmem>>[vector<16xi32>], vector<16xf32>,
    %add3A_220 = arith.constant 1 : i32
    %add3A_221 = vector.broadcast %add3A_220 : i32 to vector<16xi32>
    %add3A_222 = arith.addi %add3A_218, %add3A_221 : vector<16xi32>
    %gather3A_223 = tpu.vector_load_idx %arg6[%add3A_222] : memref<24576xf32, #tpu.memory_space<vmem>>[vector<16xi32>], vector<16xf32>,
    %add3A_224 = arith.constant 2 : i32
    %add3A_225 = vector.broadcast %add3A_224 : i32 to vector<16xi32>
    %add3A_226 = arith.addi %add3A_218, %add3A_225 : vector<16xi32>
    %gather3A_227 = tpu.vector_load_idx %arg6[%add3A_226] : memref<24576xf32, #tpu.memory_space<vmem>>[vector<16xi32>], vector<16xf32>,
    %add3A_228 = arith.constant 40 : i32
    %add3A_229 = arith.addi %mul3A_4, %add3A_228 : i32
    %add3A_230 = vector.broadcast %add3A_229 : i32 to vector<16xi32>
    %add3A_231 = arith.addi %add3A_230, %shift_right_logical3A_13 : vector<16xi32>
    %mul3A_232 = arith.constant 3 : i32
    %mul3A_233 = vector.broadcast %mul3A_232 : i32 to vector<16xi32>
    %mul3A_234 = arith.muli %add3A_231, %mul3A_233 : vector<16xi32>
    %gather3A_235 = tpu.vector_load_idx %arg8[%mul3A_234] : memref<768xf32, #tpu.memory_space<vmem>>[vector<16xi32>], vector<16xf32>,
    %add3A_236 = arith.constant 1 : i32
    %add3A_237 = vector.broadcast %add3A_236 : i32 to vector<16xi32>
    %add3A_238 = arith.addi %mul3A_234, %add3A_237 : vector<16xi32>
    %gather3A_239 = tpu.vector_load_idx %arg8[%add3A_238] : memref<768xf32, #tpu.memory_space<vmem>>[vector<16xi32>], vector<16xf32>,
    %add3A_240 = arith.constant 2 : i32
    %add3A_241 = vector.broadcast %add3A_240 : i32 to vector<16xi32>
    %add3A_242 = arith.addi %mul3A_234, %add3A_241 : vector<16xi32>
    %gather3A_243 = tpu.vector_load_idx %arg8[%add3A_242] : memref<768xf32, #tpu.memory_space<vmem>>[vector<16xi32>], vector<16xf32>,
    %mul3A_244 = arith.mulf %gather3A_219, %gather3A_235 : vector<16xf32>
    %mul3A_245 = arith.mulf %gather3A_223, %gather3A_239 : vector<16xf32>
    %add3A_246 = arith.addf %mul3A_244, %mul3A_245 : vector<16xf32>
    %mul3A_247 = arith.mulf %gather3A_227, %gather3A_243 : vector<16xf32>
    %add3A_248 = arith.addf %add3A_246, %mul3A_247 : vector<16xf32>
    %abs3A_249 = math.absf %add3A_248 : vector<16xf32>
    %add3A_250 = arith.addf %add3A_210, %abs3A_249 : vector<16xf32>
    %get3A_251 = arith.constant 96 : index
    %get3A_252 = tpu.vector_load %arg7[%get3A_251] {strides = array<i32>} : memref<128xi32, #tpu.memory_space<vmem>>, vector<16xi32>,
    %mul3A_253 = arith.constant 6 : i32
    %mul3A_254 = vector.broadcast %mul3A_253 : i32 to vector<16xi32>
    %mul3A_255 = arith.muli %get3A_252, %mul3A_254 : vector<16xi32>
    %add3A_256 = arith.constant 3 : i32
    %add3A_257 = vector.broadcast %add3A_256 : i32 to vector<16xi32>
    %add3A_258 = arith.addi %mul3A_255, %add3A_257 : vector<16xi32>
    %gather3A_259 = tpu.vector_load_idx %arg6[%add3A_258] : memref<24576xf32, #tpu.memory_space<vmem>>[vector<16xi32>], vector<16xf32>,
    %add3A_260 = arith.constant 1 : i32
    %add3A_261 = vector.broadcast %add3A_260 : i32 to vector<16xi32>
    %add3A_262 = arith.addi %add3A_258, %add3A_261 : vector<16xi32>
    %gather3A_263 = tpu.vector_load_idx %arg6[%add3A_262] : memref<24576xf32, #tpu.memory_space<vmem>>[vector<16xi32>], vector<16xf32>,
    %add3A_264 = arith.constant 2 : i32
    %add3A_265 = vector.broadcast %add3A_264 : i32 to vector<16xi32>
    %add3A_266 = arith.addi %add3A_258, %add3A_265 : vector<16xi32>
    %gather3A_267 = tpu.vector_load_idx %arg6[%add3A_266] : memref<24576xf32, #tpu.memory_space<vmem>>[vector<16xi32>], vector<16xf32>,
    %add3A_268 = arith.constant 48 : i32
    %add3A_269 = arith.addi %mul3A_4, %add3A_268 : i32
    %add3A_270 = vector.broadcast %add3A_269 : i32 to vector<16xi32>
    %add3A_271 = arith.addi %add3A_270, %shift_right_logical3A_13 : vector<16xi32>
    %mul3A_272 = arith.constant 3 : i32
    %mul3A_273 = vector.broadcast %mul3A_272 : i32 to vector<16xi32>
    %mul3A_274 = arith.muli %add3A_271, %mul3A_273 : vector<16xi32>
    %gather3A_275 = tpu.vector_load_idx %arg8[%mul3A_274] : memref<768xf32, #tpu.memory_space<vmem>>[vector<16xi32>], vector<16xf32>,
    %add3A_276 = arith.constant 1 : i32
    %add3A_277 = vector.broadcast %add3A_276 : i32 to vector<16xi32>
    %add3A_278 = arith.addi %mul3A_274, %add3A_277 : vector<16xi32>
    %gather3A_279 = tpu.vector_load_idx %arg8[%add3A_278] : memref<768xf32, #tpu.memory_space<vmem>>[vector<16xi32>], vector<16xf32>,
    %add3A_280 = arith.constant 2 : i32
    %add3A_281 = vector.broadcast %add3A_280 : i32 to vector<16xi32>
    %add3A_282 = arith.addi %mul3A_274, %add3A_281 : vector<16xi32>
    %gather3A_283 = tpu.vector_load_idx %arg8[%add3A_282] : memref<768xf32, #tpu.memory_space<vmem>>[vector<16xi32>], vector<16xf32>,
    %mul3A_284 = arith.mulf %gather3A_259, %gather3A_275 : vector<16xf32>
    %mul3A_285 = arith.mulf %gather3A_263, %gather3A_279 : vector<16xf32>
    %add3A_286 = arith.addf %mul3A_284, %mul3A_285 : vector<16xf32>
    %mul3A_287 = arith.mulf %gather3A_267, %gather3A_283 : vector<16xf32>
    %add3A_288 = arith.addf %add3A_286, %mul3A_287 : vector<16xf32>
    %abs3A_289 = math.absf %add3A_288 : vector<16xf32>
    %add3A_290 = arith.addf %add3A_250, %abs3A_289 : vector<16xf32>
    %get3A_291 = arith.constant 112 : index
    %get3A_292 = tpu.vector_load %arg7[%get3A_291] {strides = array<i32>} : memref<128xi32, #tpu.memory_space<vmem>>, vector<16xi32>,
    %mul3A_293 = arith.constant 6 : i32
    %mul3A_294 = vector.broadcast %mul3A_293 : i32 to vector<16xi32>
    %mul3A_295 = arith.muli %get3A_292, %mul3A_294 : vector<16xi32>
    %add3A_296 = arith.constant 3 : i32
    %add3A_297 = vector.broadcast %add3A_296 : i32 to vector<16xi32>
    %add3A_298 = arith.addi %mul3A_295, %add3A_297 : vector<16xi32>
    %gather3A_299 = tpu.vector_load_idx %arg6[%add3A_298] : memref<24576xf32, #tpu.memory_space<vmem>>[vector<16xi32>], vector<16xf32>,
    %add3A_300 = arith.constant 1 : i32
    %add3A_301 = vector.broadcast %add3A_300 : i32 to vector<16xi32>
    %add3A_302 = arith.addi %add3A_298, %add3A_301 : vector<16xi32>
    %gather3A_303 = tpu.vector_load_idx %arg6[%add3A_302] : memref<24576xf32, #tpu.memory_space<vmem>>[vector<16xi32>], vector<16xf32>,
    %add3A_304 = arith.constant 2 : i32
    %add3A_305 = vector.broadcast %add3A_304 : i32 to vector<16xi32>
    %add3A_306 = arith.addi %add3A_298, %add3A_305 : vector<16xi32>
    %gather3A_307 = tpu.vector_load_idx %arg6[%add3A_306] : memref<24576xf32, #tpu.memory_space<vmem>>[vector<16xi32>], vector<16xf32>,
    %add3A_308 = arith.constant 56 : i32
    %add3A_309 = arith.addi %mul3A_4, %add3A_308 : i32
    %add3A_310 = vector.broadcast %add3A_309 : i32 to vector<16xi32>
    %add3A_311 = arith.addi %add3A_310, %shift_right_logical3A_13 : vector<16xi32>
    %mul3A_312 = arith.constant 3 : i32
    %mul3A_313 = vector.broadcast %mul3A_312 : i32 to vector<16xi32>
    %mul3A_314 = arith.muli %add3A_311, %mul3A_313 : vector<16xi32>
    %gather3A_315 = tpu.vector_load_idx %arg8[%mul3A_314] : memref<768xf32, #tpu.memory_space<vmem>>[vector<16xi32>], vector<16xf32>,
    %add3A_316 = arith.constant 1 : i32
    %add3A_317 = vector.broadcast %add3A_316 : i32 to vector<16xi32>
    %add3A_318 = arith.addi %mul3A_314, %add3A_317 : vector<16xi32>
    %gather3A_319 = tpu.vector_load_idx %arg8[%add3A_318] : memref<768xf32, #tpu.memory_space<vmem>>[vector<16xi32>], vector<16xf32>,
    %add3A_320 = arith.constant 2 : i32
    %add3A_321 = vector.broadcast %add3A_320 : i32 to vector<16xi32>
    %add3A_322 = arith.addi %mul3A_314, %add3A_321 : vector<16xi32>
    %gather3A_323 = tpu.vector_load_idx %arg8[%add3A_322] : memref<768xf32, #tpu.memory_space<vmem>>[vector<16xi32>], vector<16xf32>,
    %mul3A_324 = arith.mulf %gather3A_299, %gather3A_315 : vector<16xf32>
    %mul3A_325 = arith.mulf %gather3A_303, %gather3A_319 : vector<16xf32>
    %add3A_326 = arith.addf %mul3A_324, %mul3A_325 : vector<16xf32>
    %mul3A_327 = arith.mulf %gather3A_307, %gather3A_323 : vector<16xf32>
    %add3A_328 = arith.addf %add3A_326, %mul3A_327 : vector<16xf32>
    %abs3A_329 = math.absf %add3A_328 : vector<16xf32>
    %add3A_330 = arith.addf %add3A_290, %abs3A_329 : vector<16xf32>
    %swap3A = arith.constant 0 : index
    %swap3A_331 = tpu.vector_load %arg9[%swap3A] {strides = array<i32>} : memref<16xf32, #tpu.memory_space<vmem>>, vector<16xf32>,
    tpu.vector_store %arg9[%swap3A], %add3A_330 {strides = array<i32>} : memref<16xf32, #tpu.memory_space<vmem>>, vector<16xf32>,
    "tpu.region"() ({
      %run_scoped3A = tpu.sem_alloc : memref<!tpu.dma_semaphore, #tpu.memory_space<semaphore_mem>>
      %dma_start3A_332 = arith.constant 0 : i32
      %dma_start3A_333 = tpu.memref_slice %arg5[%add3A, %dma_start3A_332] : memref<32x16xf32, #tpu.memory_space<hbm>> -> memref<1x16xf32, #tpu.memory_space<hbm>>
      %dma_start3A_334 = tpu.memref_squeeze %dma_start3A_333 : memref<1x16xf32, #tpu.memory_space<hbm>> -> memref<16xf32, #tpu.memory_space<hbm>>
      %dma_start3A_335 = arith.constant 0 : i32
      %dma_start3A_336 = tpu.memref_slice %arg5[%add3A, %dma_start3A_335] : memref<32x16xf32, #tpu.memory_space<hbm>> -> memref<1x16xf32, #tpu.memory_space<hbm>>
      %dma_start3A_337 = tpu.memref_squeeze %dma_start3A_336 : memref<1x16xf32, #tpu.memory_space<hbm>> -> memref<16xf32, #tpu.memory_space<hbm>>
      tpu.enqueue_dma source(%arg9 : memref<16xf32, #tpu.memory_space<vmem>>) target(%dma_start3A_337 : memref<16xf32, #tpu.memory_space<hbm>>) target_semaphore(%run_scoped3A : memref<!tpu.dma_semaphore, #tpu.memory_space<semaphore_mem>>)
      %dma_wait3A_338 = arith.constant 0 : i32
      %dma_wait3A_339 = tpu.memref_slice %arg5[%add3A, %dma_wait3A_338] : memref<32x16xf32, #tpu.memory_space<hbm>> -> memref<1x16xf32, #tpu.memory_space<hbm>>
      %dma_wait3A_340 = tpu.memref_squeeze %dma_wait3A_339 : memref<1x16xf32, #tpu.memory_space<hbm>> -> memref<16xf32, #tpu.memory_space<hbm>>
      %dma_wait3A_341 = arith.constant 0 : i32
      %dma_wait3A_342 = tpu.memref_slice %arg5[%add3A, %dma_wait3A_341] : memref<32x16xf32, #tpu.memory_space<hbm>> -> memref<1x16xf32, #tpu.memory_space<hbm>>
      %dma_wait3A_343 = tpu.memref_squeeze %dma_wait3A_342 : memref<1x16xf32, #tpu.memory_space<hbm>> -> memref<16xf32, #tpu.memory_space<hbm>>
      tpu.wait_dma2 semaphore(%run_scoped3A : memref<!tpu.dma_semaphore, #tpu.memory_space<semaphore_mem>>) src(%arg9 : memref<16xf32, #tpu.memory_space<vmem>>) dst(%dma_wait3A_343 : memref<16xf32, #tpu.memory_space<hbm>>)
      tpu.yield
    }) : () -> ()
    return
  }
}

module attributes {stable_mosaic.version = 14 : i64} {
  func.func @_tc_body(%arg0: i32, %arg1: memref<1x6x4096xf32, #tpu.memory_space<vmem>>, %arg2: memref<1x256x3xf32, #tpu.memory_space<vmem>>, %arg3: memref<1x1xf32, #tpu.memory_space<vmem>>, %arg4: memref<1x256x2xi32, #tpu.memory_space<vmem>>, %arg5: memref<1x1xf32, #tpu.memory_space<vmem>>) attributes {dimension_semantics = [#tpu.dimension_semantics<arbitrary>], iteration_bounds = array<i64: 8>, scalar_prefetch = 0 : i64, scratch_operands = 1 : i64, tpu.core_type = #tpu.core_type<tc>, window_params = [{transform_indices = @transform_0, window_bounds = array<i64: 1, 6, 4096>}, {transform_indices = @transform_1, window_bounds = array<i64: 1, 256, 3>}, {pipeline_mode = #tpu.pipeline_mode<synchronous>, transform_indices = @transform_2, window_bounds = array<i64: 1, 1>}, {transform_indices = @transform_3, window_bounds = array<i64: 1, 256, 2>}]} {
    %get3A = arith.constant 0 : index
    %get3A_0 = arith.constant 0 : index
    %get3A_1 = arith.constant 0 : index
    %get3A_2 = vector.load %arg1[%get3A, %get3A_0, %get3A_1] : memref<1x6x4096xf32, #tpu.memory_space<vmem>>, vector<1x6x4096xf32>
    %get3A_3 = vector.shape_cast %get3A_2 : vector<1x6x4096xf32> to vector<6x4096xf32>
    %slice3A = vector.extract_strided_slice %get3A_3 {offsets = [0, 0], sizes = [1, 4096], strides = [1, 1]} : vector<6x4096xf32> to vector<1x4096xf32>
    %slice3A_4 = vector.extract_strided_slice %get3A_3 {offsets = [1, 0], sizes = [1, 4096], strides = [1, 1]} : vector<6x4096xf32> to vector<1x4096xf32>
    %slice3A_5 = vector.extract_strided_slice %get3A_3 {offsets = [2, 0], sizes = [1, 4096], strides = [1, 1]} : vector<6x4096xf32> to vector<1x4096xf32>
    %get3A_6 = arith.constant 0 : index
    %get3A_7 = arith.constant 0 : index
    %get3A_8 = arith.constant 0 : index
    %get3A_9 = vector.load %arg2[%get3A_6, %get3A_7, %get3A_8] : memref<1x256x3xf32, #tpu.memory_space<vmem>>, vector<1x256x3xf32>
    %get3A_10 = vector.shape_cast %get3A_9 : vector<1x256x3xf32> to vector<256x3xf32>
    %slice3A_11 = vector.extract_strided_slice %get3A_10 {offsets = [0, 0], sizes = [256, 1], strides = [1, 1]} : vector<256x3xf32> to vector<256x1xf32>
    %slice3A_12 = vector.extract_strided_slice %get3A_10 {offsets = [0, 1], sizes = [256, 1], strides = [1, 1]} : vector<256x3xf32> to vector<256x1xf32>
    %slice3A_13 = vector.extract_strided_slice %get3A_10 {offsets = [0, 2], sizes = [256, 1], strides = [1, 1]} : vector<256x3xf32> to vector<256x1xf32>
    %sub3A = vector.broadcast %slice3A_11 : vector<256x1xf32> to vector<256x4096xf32>
    %sub3A_14 = vector.broadcast %slice3A : vector<1x4096xf32> to vector<256x4096xf32>
    %sub3A_15 = arith.subf %sub3A, %sub3A_14 : vector<256x4096xf32>
    %sub3A_16 = vector.broadcast %slice3A_12 : vector<256x1xf32> to vector<256x4096xf32>
    %sub3A_17 = vector.broadcast %slice3A_4 : vector<1x4096xf32> to vector<256x4096xf32>
    %sub3A_18 = arith.subf %sub3A_16, %sub3A_17 : vector<256x4096xf32>
    %sub3A_19 = vector.broadcast %slice3A_13 : vector<256x1xf32> to vector<256x4096xf32>
    %sub3A_20 = vector.broadcast %slice3A_5 : vector<1x4096xf32> to vector<256x4096xf32>
    %sub3A_21 = arith.subf %sub3A_19, %sub3A_20 : vector<256x4096xf32>
    %mul3A = arith.mulf %sub3A_15, %sub3A_15 : vector<256x4096xf32>
    %mul3A_22 = arith.mulf %sub3A_18, %sub3A_18 : vector<256x4096xf32>
    %add3A = arith.addf %mul3A, %mul3A_22 : vector<256x4096xf32>
    %mul3A_23 = arith.mulf %sub3A_21, %sub3A_21 : vector<256x4096xf32>
    %add3A_24 = arith.addf %add3A, %mul3A_23 : vector<256x4096xf32>
    %reduce_min3A = arith.constant dense<0x7F800000> : vector<4096xf32>
    %reduce_min3A_25 = vector.multi_reduction <minimumf>, %add3A_24, %reduce_min3A [0] : vector<256x4096xf32> to vector<4096xf32>
    %broadcast_in_dim3A = vector.shape_cast %reduce_min3A_25 : vector<4096xf32> to vector<1x4096xf32>
    %add3A_26 = arith.constant 9.99999996E-13 : f32
    %add3A_27 = vector.broadcast %add3A_26 : f32 to vector<1x4096xf32>
    %add3A_28 = arith.addf %broadcast_in_dim3A, %add3A_27 : vector<1x4096xf32>
    %sqrt3A = math.sqrt %add3A_28 : vector<1x4096xf32>
    %reduce_sum3A = vector.shape_cast %sqrt3A : vector<1x4096xf32> to vector<1x1x4096xf32>
    %reduce_sum3A_29 = arith.constant dense<0.000000e+00> : vector<1xf32>
    %reduce_sum3A_30 = vector.multi_reduction <add>, %reduce_sum3A, %reduce_sum3A_29 [1, 2] : vector<1x1x4096xf32> to vector<1xf32>
    %reduce_sum3A_31 = vector.shape_cast %reduce_sum3A_30 : vector<1xf32> to vector<1x1x1xf32>
    %reduce_sum3A_32 = vector.extract %reduce_sum3A_31[0, 0, 0] : f32 from vector<1x1x1xf32>
    %broadcast_in_dim3A_33 = vector.broadcast %reduce_sum3A_32 : f32 to vector<1x1xf32>
    %iota3A = tpu.iota {dimensions = array<i32: 1>} : vector<256x4096xi32>
    %bitcast_convert_type3A = tpu.bitcast %add3A_24 : vector<256x4096xf32> -> vector<256x4096xi32>
    %and3A = arith.constant -4096 : i32
    %and3A_34 = vector.broadcast %and3A : i32 to vector<256x4096xi32>
    %and3A_35 = arith.andi %bitcast_convert_type3A, %and3A_34 : vector<256x4096xi32>
    %or3A = arith.ori %and3A_35, %iota3A : vector<256x4096xi32>
    %reduce_min3A_36 = arith.constant dense<2147483647> : vector<256xi32>
    %reduce_min3A_37 = vector.multi_reduction <minsi>, %or3A, %reduce_min3A_36 [1] : vector<256x4096xi32> to vector<256xi32>
    %broadcast_in_dim3A_38 = vector.shape_cast %reduce_min3A_37 : vector<256xi32> to vector<256x1xi32>
    %eq3A = vector.broadcast %broadcast_in_dim3A_38 : vector<256x1xi32> to vector<256x4096xi32>
    %eq3A_39 = arith.cmpi eq, %or3A, %eq3A : vector<256x4096xi32>
    %jit3A = arith.constant 2147483647 : i32
    %broadcast_in_dim3A_40 = vector.broadcast %jit3A : i32 to vector<256x4096xi32>
    %select_n3A = arith.select %eq3A_39, %broadcast_in_dim3A_40, %or3A : vector<256x4096xi1>, vector<256x4096xi32>
    %reduce_min3A_41 = arith.constant dense<2147483647> : vector<256xi32>
    %reduce_min3A_42 = vector.multi_reduction <minsi>, %select_n3A, %reduce_min3A_41 [1] : vector<256x4096xi32> to vector<256xi32>
    %broadcast_in_dim3A_43 = vector.shape_cast %reduce_min3A_42 : vector<256xi32> to vector<256x1xi32>
    %and3A_44 = arith.constant -4096 : i32
    %and3A_45 = vector.broadcast %and3A_44 : i32 to vector<256x1xi32>
    %and3A_46 = arith.andi %broadcast_in_dim3A_38, %and3A_45 : vector<256x1xi32>
    %bitcast_convert_type3A_47 = tpu.bitcast %and3A_46 : vector<256x1xi32> -> vector<256x1xf32>
    %add3A_48 = arith.constant 9.99999996E-13 : f32
    %add3A_49 = vector.broadcast %add3A_48 : f32 to vector<256x1xf32>
    %add3A_50 = arith.addf %bitcast_convert_type3A_47, %add3A_49 : vector<256x1xf32>
    %sqrt3A_51 = math.sqrt %add3A_50 : vector<256x1xf32>
    %reduce_sum3A_52 = vector.shape_cast %sqrt3A_51 : vector<256x1xf32> to vector<1x256x1xf32>
    %reduce_sum3A_53 = arith.constant dense<0.000000e+00> : vector<1xf32>
    %reduce_sum3A_54 = vector.multi_reduction <add>, %reduce_sum3A_52, %reduce_sum3A_53 [1, 2] : vector<1x256x1xf32> to vector<1xf32>
    %reduce_sum3A_55 = vector.shape_cast %reduce_sum3A_54 : vector<1xf32> to vector<1x1x1xf32>
    %reduce_sum3A_56 = vector.extract %reduce_sum3A_55[0, 0, 0] : f32 from vector<1x1x1xf32>
    %broadcast_in_dim3A_57 = vector.broadcast %reduce_sum3A_56 : f32 to vector<1x1xf32>
    %add3A_58 = arith.addf %broadcast_in_dim3A_33, %broadcast_in_dim3A_57 : vector<1x1xf32>
    %and3A_59 = arith.constant 4095 : i32
    %and3A_60 = vector.broadcast %and3A_59 : i32 to vector<256x1xi32>
    %and3A_61 = arith.andi %broadcast_in_dim3A_38, %and3A_60 : vector<256x1xi32>
    %swap3A = arith.constant 0 : index
    %swap3A_62 = arith.constant 0 : index
    %swap3A_63 = arith.constant 0 : index
    %swap3A_64 = vector.load %arg4[%swap3A, %swap3A_62, %swap3A_63] : memref<1x256x2xi32, #tpu.memory_space<vmem>>, vector<1x256x1xi32>
    %swap3A_65 = vector.shape_cast %swap3A_64 : vector<1x256x1xi32> to vector<256x1xi32>
    %swap3A_66 = vector.shape_cast %and3A_61 : vector<256x1xi32> to vector<1x256x1xi32>
    tpu.vector_store %arg4[%swap3A, %swap3A_62, %swap3A_63], %swap3A_66 {strides = array<i32>} : memref<1x256x2xi32, #tpu.memory_space<vmem>>, vector<1x256x1xi32>,
    %and3A_67 = arith.constant 4095 : i32
    %and3A_68 = vector.broadcast %and3A_67 : i32 to vector<256x1xi32>
    %and3A_69 = arith.andi %broadcast_in_dim3A_43, %and3A_68 : vector<256x1xi32>
    %swap3A_70 = arith.constant 0 : index
    %swap3A_71 = arith.constant 0 : index
    %swap3A_72 = arith.constant 1 : index
    %swap3A_73 = vector.load %arg4[%swap3A_70, %swap3A_71, %swap3A_72] : memref<1x256x2xi32, #tpu.memory_space<vmem>>, vector<1x256x1xi32>
    %swap3A_74 = vector.shape_cast %swap3A_73 : vector<1x256x1xi32> to vector<256x1xi32>
    %swap3A_75 = vector.shape_cast %and3A_69 : vector<256x1xi32> to vector<1x256x1xi32>
    tpu.vector_store %arg4[%swap3A_70, %swap3A_71, %swap3A_72], %swap3A_75 {strides = array<i32>} : memref<1x256x2xi32, #tpu.memory_space<vmem>>, vector<1x256x1xi32>,
    %eq3A_76 = arith.constant 0 : i32
    %eq3A_77 = arith.cmpi eq, %arg0, %eq3A_76 : i32
    %convert_element_type3A = arith.extui %eq3A_77 : i1 to i32
    %cond3A = arith.constant 0 : i32
    %cond3A_78 = arith.cmpi ne, %convert_element_type3A, %cond3A : i32
    scf.if %cond3A_78 {
      %swap3A_88 = arith.constant 0 : index
      %swap3A_89 = arith.constant 0 : index
      %swap3A_90 = vector.load %arg5[%swap3A_88, %swap3A_89] : memref<1x1xf32, #tpu.memory_space<vmem>>, vector<1x1xf32>
      tpu.vector_store %arg5[%swap3A_88, %swap3A_89], %add3A_58 {strides = array<i32>} : memref<1x1xf32, #tpu.memory_space<vmem>>, vector<1x1xf32>,
    } else {
    }
    %ne3A = arith.constant 0 : i32
    %ne3A_79 = arith.cmpi ne, %arg0, %ne3A : i32
    %convert_element_type3A_80 = arith.extui %ne3A_79 : i1 to i32
    %cond3A_81 = arith.constant 0 : i32
    %cond3A_82 = arith.cmpi ne, %convert_element_type3A_80, %cond3A_81 : i32
    scf.if %cond3A_82 {
      %get3A_88 = arith.constant 0 : index
      %get3A_89 = arith.constant 0 : index
      %get3A_90 = vector.load %arg5[%get3A_88, %get3A_89] : memref<1x1xf32, #tpu.memory_space<vmem>>, vector<1x1xf32>
      %add3A_91 = arith.addf %get3A_90, %add3A_58 : vector<1x1xf32>
      %swap3A_92 = arith.constant 0 : index
      %swap3A_93 = arith.constant 0 : index
      %swap3A_94 = vector.load %arg5[%swap3A_92, %swap3A_93] : memref<1x1xf32, #tpu.memory_space<vmem>>, vector<1x1xf32>
      tpu.vector_store %arg5[%swap3A_92, %swap3A_93], %add3A_91 {strides = array<i32>} : memref<1x1xf32, #tpu.memory_space<vmem>>, vector<1x1xf32>,
    } else {
    }
    %eq3A_83 = arith.constant 7 : i32
    %eq3A_84 = arith.cmpi eq, %arg0, %eq3A_83 : i32
    %convert_element_type3A_85 = arith.extui %eq3A_84 : i1 to i32
    %cond3A_86 = arith.constant 0 : i32
    %cond3A_87 = arith.cmpi ne, %convert_element_type3A_85, %cond3A_86 : i32
    scf.if %cond3A_87 {
      %get3A_88 = arith.constant 0 : index
      %get3A_89 = arith.constant 0 : index
      %get3A_90 = vector.load %arg5[%get3A_88, %get3A_89] : memref<1x1xf32, #tpu.memory_space<vmem>>, vector<1x1xf32>
      %swap3A_91 = arith.constant 0 : index
      %swap3A_92 = arith.constant 0 : index
      %swap3A_93 = vector.load %arg3[%swap3A_91, %swap3A_92] : memref<1x1xf32, #tpu.memory_space<vmem>>, vector<1x1xf32>
      tpu.vector_store %arg3[%swap3A_91, %swap3A_92], %get3A_90 {strides = array<i32>} : memref<1x1xf32, #tpu.memory_space<vmem>>, vector<1x1xf32>,
    } else {
    }
    return
  }
  func.func @transform_0(%arg0: i32) -> (i32, i32, i32) {
    %c0_i32 = arith.constant 0 : i32
    %c0_i32_0 = arith.constant 0 : i32
    %c0_i32_1 = arith.constant 0 : i32
    return %arg0, %c0_i32, %c0_i32_0 : i32, i32, i32
  }
  func.func @transform_1(%arg0: i32) -> (i32, i32, i32) {
    %c0_i32 = arith.constant 0 : i32
    %c0_i32_0 = arith.constant 0 : i32
    %c0_i32_1 = arith.constant 0 : i32
    return %arg0, %c0_i32, %c0_i32_0 : i32, i32, i32
  }
  func.func @transform_2(%arg0: i32) -> (i32, i32) {
    %c0_i32 = arith.constant 0 : i32
    %c0_i32_0 = arith.constant 0 : i32
    %c0_i32_1 = arith.constant 0 : i32
    return %c0_i32, %c0_i32_0 : i32, i32
  }
  func.func @transform_3(%arg0: i32) -> (i32, i32, i32) {
    %c0_i32 = arith.constant 0 : i32
    %c0_i32_0 = arith.constant 0 : i32
    %c0_i32_1 = arith.constant 0 : i32
    return %arg0, %c0_i32, %c0_i32_0 : i32, i32, i32
  }
}

</mosaic_0001>

<sc_bundles>
// kernel: kernel.4.cloned.1.call-start
scs
__scs_entry_jumppad:
0x0: {  	(pc) =	sbr.rel $0x88, $3  }
0x1: {  	(tag) =	ssettag $0x0;
	lr =	simm.s32 $0x1  }
0x2: {  	[smem:$0x3F9E] =	sst lr;
	_ =	strace $0xD0000000  }
0x3: {  	_ = 	snop  }
0x4: {  	_ = 	snop  }
0x5: {  	_ = 	snop  }
0x6: {  	_ = 	snop  }
0x7: {  	_ = 	snop  }
__scs_overlays_trampoline_lowered:
0x8: {  	[smem:$0x3FAD] =	sst s0  }
0x9: {  	[smem:$0x3FAE] =	sst s1  }
0xa: {  	[smem:$0x3FAF] =	sst s2  }
0xb: {  	[smem:$0x3FB0] =	sst s3  }
0xc: {  	[smem:$0x3FB1] =	sst s4  }
0xd: {  	[smem:$0x3FB2] =	sst s5  }
0xe: {  	[smem:$0x3FB3] =	sst s6  }
0xf: {  	[smem:$0x3FB4] =	sst s7  }
0x10: {  	[smem:$0x3FB5] =	sst s8  }
0x11: {  	[smem:$0x3FB6] =	sst s9;
	s0 =	simm.s32 @!p0 $0x0  }
0x12: {  	s1 =	sld [smem:$0x3F9C];
	s0 =	simm.s32 @p0 $0x1  }
0x13: {  	[smem:$0x3FB7] =	sst s0;
	s0 =	simm.s32 @!p1 $0x0  }
0x14: {  	s2 =	sld [smem:$0x3F9B];
	s0 =	simm.s32 @p1 $0x1  }
0x15: {  	[smem:$0x3FB8] =	sst s0;
	s0 =	simm.s32 @!p2 $0x0  }
0x16: {  	s3 =	sld [smem:$0x3FDB];
	s0 =	simm.s32 @p2 $0x1  }
0x17: {  	s4 =	simm.s32 $0x1BF5;
	[smem:$0x3FBA] =	sst s0  }
0x18: {  	s0 =	sld [smem:$0x3F9D];
	_ =	swait.ge [sflag:s4], $0x0  }
0x19: {  	s7 =	sld [smem:$0x3F9E]  }
0x1a: {  	s8 =	sadd.s32 $0xFFFFE003, lr  }
0x1b: {  	s9 =	sadd.s32 $0xFFFFFEF7, lr;
	s5 =	simm.s32 $0xFFFFFFFF;
	p2 =	slt.u32 s8, $0xFFFFF086  }
0x1c: {  	p1 =	slt.u32 s9, $0xF7A;
	s5 =	simm.s32 @!p2 $0x0  }
0x1d: {  	s5 =	simm.s32 @p1 $0x1;
	p0 =	seq.s32 s7, s2  }
0x1e: {  	s7 =	smul.u32 @!p0 $0xF7A, s2;
	p2 =	seq.s32 @!p0 s5, $0x0  }
0x1f: {  	s9 =	smul.u32 $0xF7A, s1;
	s8 =	simm.s32 @!p0 $0x1BF5;
	p2 =	por !p2, p0  }
0x20: {  	[sflag:s8] =	ssyncset.s32 @!p0 $0xFFFFF086;
	s6 =	sadd.s32 @!p0 s3, s7;
	s7 =	simm.s32 @!p0 $0x108  }
0x21: {  	s3 =	sadd.s32 s3, s9;
	s6 =	sadd.s32 @!p0 $0x88, s6;
	s7 =	simm.s32 @p2 $0x1082  }
0x22: {  	[simem:s7], [sflag:s8] =	dma.local @!p0 [hbm:s6], $0xF7A  }
0x23: {  	s9 =	sor.u32 $0xD0000000, s2;
	s6 =	simm.s32 $0x108;
	_ =	swait.ge @!p0 [sflag:s8], $0x0  }
0x24: {  	s3 =	sadd.s32 $0x88, s3;
	s6 =	simm.s32 @!p1 $0x1082;
	[sflag:s4] =	ssyncset.s32 $0xFFFFF086  }
0x25: {  	[simem:s6], [sflag:s4] =	dma.local [hbm:s3], $0xF7A  }
0x26: {  	[smem:$0x3F9E] =	sst s1;
	(tag) =	ssettag s2;
	_ =	strace s9  }
0x27: {  	s1 =	sld [smem:$0x3FAE]  }
0x28: {  	s2 =	sld [smem:$0x3FAF]  }
0x29: {  	s4 =	sld [smem:$0x3FB1]  }
0x2a: {  	p0 =	seq.s32 s5, $0x0;
	s5 =	sld [smem:$0x3FB2]  }
0x2b: {  	s6 =	sld [smem:$0x3FB3]  }
0x2c: {  	s7 =	sld [smem:$0x3FB4]  }
0x2d: {  	s3 =	simm.s32 $0x108;
	s8 =	sld [smem:$0x3FB5]  }
0x2e: {  	s3 =	simm.s32 @!p0 $0x1082;
	s9 =	sld [smem:$0x3FB6]  }
0x2f: {  	lr =	sadd.s32 s0, s3;
	s0 =	sld [smem:$0x3FAD]  }
0x30: {  	s3 =	sld [smem:$0x3FB0]  }
0x31: {  	[smem:$0x3FB9] =	sst s10  }
0x32: {  	s10 =	sld [smem:$0x3FB7];
	_ =	sdelay $0x3  }
0x33: {  	p0 =	seq.s32 s10, $0x1;
	s10 =	sld [smem:$0x3FB9];
	_ =	sdelay $0x3  }
0x34: {  	[smem:$0x3FB9] =	sst s10  }
0x35: {  	s10 =	sld [smem:$0x3FB8];
	_ =	sdelay $0x3  }
0x36: {  	p1 =	seq.s32 s10, $0x1;
	s10 =	sld [smem:$0x3FB9];
	_ =	sdelay $0x3  }
0x37: {  	[smem:$0x3FB9] =	sst s10  }
0x38: {  	s10 =	sld [smem:$0x3FBA]  }
0x39: {  	_ = 	snop;
	(pc) =	sbr.ind lr, $3  }
0x3a: {  	_ = 	snop  }
0x3b: {  	_ = 	snop  }
0x3c: {  	p2 =	seq.s32 s10, $0x1;
	s10 =	sld [smem:$0x3FB9]  }
0x3d: {  	_ =	shalt  }
0x3e: {  	_ =	shalt  }
0x3f: {  	_ =	shalt  }
0x40: {  	_ =	shalt  }
0x41: {  	_ =	shalt  }
0x42: {  	_ =	shalt  }
0x43: {  	_ =	shalt  }
0x44: {  	_ =	shalt  }
0x45: {  	_ =	shalt  }
0x46: {  	_ =	shalt  }
0x47: {  	_ =	shalt  }
0x48: {  	_ =	shalt  }
0x49: {  	_ =	shalt  }
0x4a: {  	_ =	shalt  }
0x4b: {  	_ =	shalt  }
0x4c: {  	_ =	shalt  }
0x4d: {  	_ =	shalt  }
0x4e: {  	_ =	shalt  }
0x4f: {  	_ =	shalt  }
0x50: {  	_ =	shalt  }
0x51: {  	_ =	shalt  }
0x52: {  	_ =	shalt  }
0x53: {  	_ =	shalt  }
0x54: {  	_ =	shalt  }
0x55: {  	_ =	shalt  }
0x56: {  	_ =	shalt  }
0x57: {  	_ =	shalt  }
0x58: {  	_ =	shalt  }
0x59: {  	_ =	shalt  }
0x5a: {  	_ =	shalt  }
0x5b: {  	_ =	shalt  }
0x5c: {  	_ =	shalt  }
0x5d: {  	_ =	shalt  }
0x5e: {  	_ =	shalt  }
0x5f: {  	_ =	shalt  }
0x60: {  	_ =	shalt  }
0x61: {  	_ =	shalt  }
0x62: {  	_ =	shalt  }
0x63: {  	_ =	shalt  }
0x64: {  	_ =	shalt  }
0x65: {  	_ =	shalt  }
0x66: {  	_ =	shalt  }
0x67: {  	_ =	shalt  }
0x68: {  	_ =	shalt  }
0x69: {  	_ =	shalt  }
0x6a: {  	_ =	shalt  }
0x6b: {  	_ =	shalt  }
0x6c: {  	_ =	shalt  }
0x6d: {  	_ =	shalt  }
0x6e: {  	_ =	shalt  }
0x6f: {  	_ =	shalt  }
0x70: {  	_ =	shalt  }
0x71: {  	_ =	shalt  }
0x72: {  	_ =	shalt  }
0x73: {  	_ =	shalt  }
0x74: {  	_ =	shalt  }
0x75: {  	_ =	shalt  }
0x76: {  	_ =	shalt  }
0x77: {  	_ =	shalt  }
0x78: {  	_ =	shalt  }
0x79: {  	_ =	shalt  }
0x7a: {  	_ =	shalt  }
0x7b: {  	_ =	shalt  }
0x7c: {  	_ =	shalt  }
0x7d: {  	_ =	shalt  }
0x7e: {  	_ =	shalt  }
0x7f: {  	_ =	shalt  }
0x80: {  	_ =	shalt  }
0x81: {  	_ =	shalt  }
0x82: {  	_ =	shalt  }
0x83: {  	_ =	shalt  }
0x84: {  	_ =	shalt  }
0x85: {  	_ =	shalt  }
0x86: {  	_ =	shalt  }
0x87: {  	_ =	shalt  }
.Lfunc_end0:
.L_simem_size_0:
called_computation_lowered:
.L_overlay_start_0:
0x88: {  	s2 =	sld [smem:$0x3FD9]  }
0x89: {  	s3 =	sld [smem:$0x3FFE];
	_ =	sdelay $0x1  }
0x8a: {  	s1 =	srdreg.scid  }
0x8b: {  	s0 =	sand.u32 $0x1, s1  }
0x8c: {  	s16 =	sshll.u32 s0, $0xA;
	s2 =	sadd.s32 s3, s2  }
0x8d: {  	s2 =	sadd.s32 s2, s16  }
0x8e: {  	[smem:$0x3FC5] =	sst s2  }
0x8f: {  	_ = 	snop  }
0x90: {  	(tm) =	ssettm $0x1  }
0x91: {  	s17 =	sld [smem:$0x3FFB];
	_ =	sdelay $0x3  }
0x92: {  	_ =	strace s17  }
0x93: {  	s2 =	sld [smem:$0x3FFC];
	_ =	sdelay $0x3  }
0x94: {  	_ =	strace s2  }
0x95: {  	s2 =	sld [smem:$0x3FFD];
	_ =	sdelay $0x3  }
0x96: {  	_ =	strace s2  }
0x97: {  	_ =	strace $0x8FFFFFFF  }
0x98: {  	s18 =	sld [smem:$0x3FDB];
	_ =	sdelay $0x1  }
0x99: {  	s19 =	simm.s32 $_scs_section_size  }
0x9a: {  	s4 =	simm.s32 $_size__tile_overlayer_lowered;
	s5 =	simm.s32 $_tile_overlayer_lowered  }
0x9b: {  	s22 =	simm.s32 $0x1BFF;
	s21 =	sshll.u32 s5, $0x1;
	s2 =	sadd.s32 s19, s18  }
0x9c: {  	s6 =	simm.s32 $0x0;
	s20 =	sshll.u32 s4, $0x1;
	s4 =	sadd.s32 s21, s2  }
0x9d: {  	[timem:s6], [sflag:s22] =	dma.local [hbm:s4], s20  }
0x9e: {  	_ =	swait.ge [sflag:s22], s20  }
0x9f: {  	s3 =	ssub.s32 $0x0, s20;
	[sflag:s22] =	ssyncset.done $0x0  }
0xa0: {  	[sflag:s22] =	ssyncadd.s32 s3;
	_ =	sdelay $0x1  }
0xa1: {  	s23 =	simm.s32 $0x1B8B  }
0xa2: {  	_ =	swait.ge [sflag:s23], $0x1  }
0xa3: {  	[sflag:s23] =	ssyncset.done $0x0  }
0xa4: {  	s25 =	simm.s32 $0x1B8E;
	s24 =	sld [smem:$0x3FFE];
	[sflag:s23] =	ssyncadd.s32 $0xFFFFFFFF  }
0xa5: {  	s26 =	simm.s32 $execute0_lowered;
	[smem:$0x3FD2] =	sst s25  }
0xa6: {  	s4 =	sshll.u32 s26, $0x1;
	_ =	strace $0x80000046;
	[dreg:$0x1] =	wrdreg $0xFFFFFFFF  }
0xa7: {  	s28 =	simm.s32 $_size_execute0_lowered;
	s2 =	sadd.s32 s2, s4;
	[dreg:$0x0] =	wrdreg $0x0  }
0xa8: {  	s4 =	sshll.u32 s28, $0x1;
	[dreg:$0x2] =	wrdreg s2  }
0xa9: {  	[dreg:$0x3] =	wrdreg s4  }
0xaa: {  	[dreg:$0x4] =	wrdreg $0xC0  }
0xab: {  	_ =	task [dreg:s6], $0x5FFFF  }
0xac: {  	[dreg:$0x1] =	wrdreg $0xFFFFFFFF  }
0xad: {  	[dreg:$0x0] =	wrdreg $0x60  }
0xae: {  	[dreg:$0x2] =	wrdreg s24  }
0xaf: {  	[dreg:$0x3] =	wrdreg $0x9  }
0xb0: {  	_ =	task.clear_ibuf [dreg:s6], $0x4FFFF;
	_ =	strace $0x90000046  }
0xb1: {  	s29 =	simm.s32 $0x9;
	_ =	strace $0x80000048  }
0xb2: {  	_ =	swait.ge [sflag:s29], $0x1  }
0xb3: {  	[sflag:s29] =	ssyncadd.s32 $0xFFFFFFFF  }
0xb4: {  	_ =	strace $0x90000048  }
0xb5: {  	_ =	sfence  }
0xb6: {  	s30 =	sld [smem:$0x0];
	_ =	sdelay $0x2  }
0xb7: {  	s31 =	sshll.u32 s1, $0xD;
	s1 =	sshrl.u32 s1, $0x2  }
0xb8: {  	s3 =	sand.u32 $0x4000, s31;
	s1 =	sadd.s32 s1, s30  }
0xb9: {  	s0 =	sor.u32 s3, s0;
	s1 =	sshll.u32 s1, $0x11  }
0xba: {  	s0 =	sor.u32 s1, s0  }
0xbb: {  	s0 =	sadd.s32 $0x8F2B, s0  }
0xbc: {  	[sflag:s0] =	ssyncadd.remote.s32 $0x1  }
0xbd: {  	_ =	sfence.sel $0xFFFF  }
0xbe: {  	[dreg:$0x0] =	wrdreg $0xFFFFFFFF;
	(pc) =	sbr.abs _section_cstart, $3  }
0xbf: {  	[dreg:$0x1] =	wrdreg $0xFFFFFFFF  }
0xc0: {  	_ =	task.clear_ibuf [dreg:s6], $0x2FFFF;
	_ =	strace $0x9FFFFFFF  }
0xc1: {  	(tm) =	ssettm $0x7FFFFFFF  }
tec
execute0_lowered:
.L_overlay_start_1:
0x0: {  	(tag) =	ssettag $0x1  }
0x1: {  	s0 =	stileid.u32  }
0x2: {  	s1 =	sshll.u32 s0, $0x6  }
0x3: {  	s3 =	sand.u32 $0xC0, s1  }
0x4: {  	v1 =	vlaneseq.u32;
	v0 =	vmov s3  }
0x5: {  	v1 =	vshrl.u32 v1, $0x1;
	v0 =	vmul.u32 $0x3, v0  }
0x6: {  	v21 =	vmul.u32 $0x3, v1;
	s1 =	sor.u32 $0x8, s3;
	s21 =	sor.u32 $0x10, s3  }
0x7: {  	s23 =	sor.u32 $0x18, s3;
	s24 =	sor.u32 $0x28, s3;
	v1 =	vmov s1;
	v2 =	vbroadcast v0, $0x0;
	v0 =	vmov s21  }
0x8: {  	s8 =	sor.u32 $0x20, s3;
	s26 =	sor.u32 $0x30, s3;
	s3 =	sor.u32 $0x38, s3;
	v22 =	vadd.s32 $0x1, v21;
	v13 =	vmov s24;
	v4 =	vmul.u32 $0x3, v0  }
0x9: {  	v15 =	vmov s3;
	v3 =	vmul.u32 $0x3, v1;
	v13 =	vmul.u32 $0x3, v13  }
0xa: {  	v18 =	vmul.u32 $0x3, v15;
	v8 =	vbroadcast v4, $0x0;
	v4 =	vmov s23  }
0xb: {  	v23 =	vadd.s32 $0x2, v21;
	v5 =	vbroadcast v3, $0x0;
	v9 =	vmul.u32 $0x3, v4  }
0xc: {  	s22 =	srdreg.scid;
	s5 =	rddreg [dreg:$0x0];
	s11 =	simm.s32 $0x1;
	v17 =	vbroadcast v13, $0x0;
	v24 =	vbroadcast v18, $0x0;
	v0 =	vor.u32 v21, v2  }
0xd: {  	s12 =	simm.s32 $0x6380;
	s4 =	sand.u32 $0x1, s22;
	s10 =	sshll.u32 s0, $0x4;
	v1 =	vor.u32 v22, v2;
	v11 =	vbroadcast v9, $0x0;
	v9 =	vmov s8  }
0xe: {  	s2 =	sshll.u32 s4, $0x4;
	s28 =	sand.u32 $0x70, s10;
	s4 =	ssub.s32 $0x2, s4;
	v2 =	vor.u32 v23, v2;
	v3 =	vadd.s32 v21, v5;
	v12 =	vmul.u32 $0x3, v9  }
0xf: {  	s10 =	simm.s32 $0x6080;
	s6 =	sor.u32 s0, s2;
	s2 =	simm.s32 $0x0;
	v15 =	vadd.s32 v21, v17;
	v4 =	vadd.s32 v22, v5;
	v5 =	vadd.s32 v23, v5  }
0x10: {  	s30 =	sshrl.u32 s4, $0x1;
	s1 =	rddreg [dreg:$0x1];
	s7 =	sshrl.u32 s6, $0x2;
	v6 =	vadd.s32 v21, v8;
	v14 =	vbroadcast v12, $0x0;
	v12 =	vmov s26  }
0x11: {  	[smem:$0x7FF] =	sst s2;
	s6 =	sshll.u32 s6, $0x4;
	s9 =	smul.u32 $0xC00, s7;
	v7 =	vadd.s32 v22, v8;
	v8 =	vadd.s32 v23, v8;
	v16 =	vmul.u32 $0x3, v12  }
0x12: {  	s31 =	ssub.s32 s4, s30;
	s7 =	smul.u32 $0x60, s7;
	s6 =	sand.u32 $0x180, s6;
	v9 =	vadd.s32 v21, v11;
	v10 =	vadd.s32 v22, v11;
	v11 =	vadd.s32 v23, v11  }
0x13: {  	_ =	strace $0x80000047;
	s29 =	sor.u32 s28, s6;
	s25 =	sadd.s32 s9, s5;
	v12 =	vor.u32 v21, v14;
	v13 =	vor.u32 v22, v14;
	v20 =	vbroadcast v16, $0x0  }
0x14: {  	s7 =	sadd.s32 s7, s5;
	s9 =	sadd.s32 s29, s5;
	s3 =	sadd.s32 $0x800, s25;
	v14 =	vor.u32 v23, v14;
	v16 =	vadd.s32 v22, v17;
	v17 =	vadd.s32 v23, v17  }
0x15: {  	s4 =	sadd.s32 $0x600, s9;
	s5 =	sadd.s32 $0x6800, s7;
	s6 =	sadd.s32 $0x6C00, s9;
	v18 =	vadd.s32 v21, v20;
	v19 =	vadd.s32 v22, v20;
	v20 =	vadd.s32 v23, v20  }
0x16: {  	s7 =	smax.u32 s31, $0x1;
	s9 =	simm.s32 $0x2;
	s8 =	simm.s32 $0x6000;
	v21 =	vadd.s32 v21, v24;
	v22 =	vadd.s32 v22, v24;
	v23 =	vadd.s32 v23, v24  }
.LBB2_1:
0x17: {  	[tilespmem:s2], [sflag:$0x1] =	stream.linear.gather [hbm4b:s3+s2], $0x6000, $0x38;
	[tilespmem:$0x6400] =	vst v63  }
0x18: {  	_ = 	snop  }
0x19: {  	[tilespmem:s8], [sflag:$0x2] =	stream.linear.gather [hbm4b:s4+s2], $0x80, $0x38;
	[tilespmem:$0x6400] =	vst v63  }
0x1a: {  	_ =	swait.ge [sflag:s9], $0x80  }
0x1b: {  	[sflag:s9] =	ssyncset.done $0x0  }
0x1c: {  	[sflag:s9] =	ssyncadd.s32 $0xFFFFFF80  }
0x1d: {  	[tilespmem:s10], [sflag:$0x2] =	stream.linear.gather [hbm4b:s5+s2], $0x300, $0x38;
	[tilespmem:$0x6400] =	vst v63  }
0x1e: {  	_ =	swait.ge [sflag:s9], $0x300  }
0x1f: {  	[sflag:s9] =	ssyncset.done $0x0  }
0x20: {  	[sflag:s9] =	ssyncadd.s32 $0xFFFFFD00  }
0x21: {  	_ =	swait.ge [sflag:s11], $0x6000  }
0x22: {  	[sflag:s11] =	ssyncset.done $0x0  }
0x23: {  	[sflag:s11] =	ssyncadd.s32 $0xFFFFA000  }
0x24: {  	v24 =	vld [tilespmem:$0x6000]  }
0x25: {  	v26 =	vld [tilespmem:$0x6010]  }
0x26: {  	v29 =	vld [tilespmem:$0x6020]  }
0x27: {  	v31 =	vld.idx.msk [tilespmem:v0+s10+$0x0], $0xffff  }
0x28: {  	v32 =	vld.idx.msk [tilespmem:v1+s10+$0x0], $0xffff  }
0x29: {  	v33 =	vld.idx.msk [tilespmem:v2+s10+$0x0], $0xffff  }
0x2a: {  	v35 =	vld [tilespmem:$0x6030]  }
0x2b: {  	v37 =	vld.idx.msk [tilespmem:v3+s10+$0x0], $0xffff  }
0x2c: {  	v38 =	vld.idx.msk [tilespmem:v4+s10+$0x0], $0xffff  }
0x2d: {  	v39 =	vld.idx.msk [tilespmem:v5+s10+$0x0], $0xffff  }
0x2e: {  	v41 =	vld [tilespmem:$0x6040]  }
0x2f: {  	v43 =	vld.idx.msk [tilespmem:v6+s10+$0x0], $0xffff  }
0x30: {  	v44 =	vld.idx.msk [tilespmem:v7+s10+$0x0], $0xffff  }
0x31: {  	v45 =	vld.idx.msk [tilespmem:v8+s10+$0x0], $0xffff  }
0x32: {  	v47 =	vld [tilespmem:$0x6050]  }
0x33: {  	v49 =	vld.idx.msk [tilespmem:v9+s10+$0x0], $0xffff  }
0x34: {  	v50 =	vld.idx.msk [tilespmem:v10+s10+$0x0], $0xffff;
	v24 =	vmul.u32 $0x6, v24  }
0x35: {  	v51 =	vld.idx.msk [tilespmem:v11+s10+$0x0], $0xffff  }
0x36: {  	v53 =	vld [tilespmem:$0x6060];
	v25 =	vadd.s32 $0x3, v24  }
0x37: {  	v54 =	vld.idx.msk [tilespmem:v12+s10+$0x0], $0xffff;
	v26 =	vmul.u32 $0x6, v26;
	v27 =	vadd.s32 $0x4, v24  }
0x38: {  	v56 =	vld.idx.msk [tilespmem:v13+s10+$0x0], $0xffff;
	v24 =	vadd.s32 $0x5, v24  }
0x39: {  	v57 =	vld.idx.msk [tilespmem:v14+s10+$0x0], $0xffff;
	v28 =	vadd.s32 $0x3, v26  }
0x3a: {  	v58 =	vld [tilespmem:$0x6070];
	v29 =	vmul.u32 $0x6, v29;
	v30 =	vadd.s32 $0x4, v26  }
0x3b: {  	v26 =	vadd.s32 $0x5, v26;
	v25 =	vld.idx.msk [tilespmem:v25+s2+$0x0], $0xffff  }
0x3c: {  	v34 =	vadd.s32 $0x3, v29;
	v27 =	vld.idx.msk [tilespmem:v27+s2+$0x0], $0xffff  }
0x3d: {  	v35 =	vmul.u32 $0x6, v35;
	v36 =	vadd.s32 $0x4, v29;
	v24 =	vld.idx.msk [tilespmem:v24+s2+$0x0], $0xffff  }
0x3e: {  	v29 =	vadd.s32 $0x5, v29;
	v28 =	vld.idx.msk [tilespmem:v28+s2+$0x0], $0xffff  }
0x3f: {  	v40 =	vadd.s32 $0x3, v35;
	v30 =	vld.idx.msk [tilespmem:v30+s2+$0x0], $0xffff  }
0x40: {  	v41 =	vmul.u32 $0x6, v41;
	v42 =	vadd.s32 $0x4, v35;
	v26 =	vld.idx.msk [tilespmem:v26+s2+$0x0], $0xffff  }
0x41: {  	v35 =	vadd.s32 $0x5, v35;
	v34 =	vld.idx.msk [tilespmem:v34+s2+$0x0], $0xffff  }
0x42: {  	v46 =	vadd.s32 $0x3, v41;
	v36 =	vld.idx.msk [tilespmem:v36+s2+$0x0], $0xffff  }
0x43: {  	v47 =	vmul.u32 $0x6, v47;
	v48 =	vadd.s32 $0x4, v41;
	v29 =	vld.idx.msk [tilespmem:v29+s2+$0x0], $0xffff  }
0x44: {  	v41 =	vadd.s32 $0x5, v41;
	v40 =	vld.idx.msk [tilespmem:v40+s2+$0x0], $0xffff  }
0x45: {  	v52 =	vadd.s32 $0x3, v47;
	v42 =	vld.idx.msk [tilespmem:v42+s2+$0x0], $0xffff  }
0x46: {  	v55 =	vadd.s32 $0x4, v47;
	v35 =	vld.idx.msk [tilespmem:v35+s2+$0x0], $0xffff  }
0x47: {  	v47 =	vadd.s32 $0x5, v47;
	v46 =	vld.idx.msk [tilespmem:v46+s2+$0x0], $0xffff  }
0x48: {  	v53 =	vmul.u32 $0x6, v53;
	v48 =	vld.idx.msk [tilespmem:v48+s2+$0x0], $0xffff  }
0x49: {  	v41 =	vld.idx.msk [tilespmem:v41+s2+$0x0], $0xffff  }
0x4a: {  	v60 =	vadd.s32 $0x4, v53;
	v52 =	vld.idx.msk [tilespmem:v52+s2+$0x0], $0xffff  }
0x4b: {  	v55 =	vld.idx.msk [tilespmem:v55+s2+$0x0], $0xffff  }
0x4c: {  	v47 =	vld.idx.msk [tilespmem:v47+s2+$0x0], $0xffff  }
0x4d: {  	v25 =	vmul.f32 v31, v25;
	v31 =	vld.idx.msk [tilespmem:v15+s10+$0x0], $0xffff  }
0x4e: {  	v59 =	vadd.s32 $0x3, v53;
	v28 =	vmul.f32 v37, v28;
	v37 =	vld.idx.msk [tilespmem:v16+s10+$0x0], $0xffff  }
0x4f: {  	v27 =	vmul.f32 v32, v27;
	v61 =	vmul.f32 v44, v36;
	v36 =	vld.idx.msk [tilespmem:v60+s2+$0x0], $0xffff  }
0x50: {  	v53 =	vadd.s32 $0x5, v53;
	v30 =	vmul.f32 v38, v30;
	v24 =	vmul.f32 v33, v24;
	v33 =	vld.idx.msk [tilespmem:v18+s10+$0x0], $0xffff  }
0x51: {  	v38 =	vmul.u32 $0x6, v58;
	v26 =	vmul.f32 v39, v26;
	v29 =	vmul.f32 v45, v29;
	v58 =	vld.idx.msk [tilespmem:v19+s10+$0x0], $0xffff  }
0x52: {  	v44 =	vmul.f32 v56, v48;
	v48 =	vld.idx.msk [tilespmem:v21+s10+$0x0], $0xffff;
	v25 =	vadd.f32 v27, v25;
	v28 =	vadd.f32 v30, v28  }
0x53: {  	v49 =	vmul.f32 v49, v40;
	v30 =	vld.idx.msk [tilespmem:v59+s2+$0x0], $0xffff;
	v59 =	vmul.f32 v43, v34;
	v62 =	vadd.s32 $0x3, v38  }
0x54: {  	v27 =	vld.idx.msk [tilespmem:v17+s10+$0x0], $0xffff;
	v32 =	vadd.s32 $0x4, v38;
	v24 =	vadd.f32 v24, v25;
	v26 =	vadd.f32 v26, v28  }
0x55: {  	v25 =	vld.idx.msk [tilespmem:v53+s2+$0x0], $0xffff;
	v63 =	vadd.f32 v61, v59;
	v53 =	vmul.f32 v50, v42;
	v61 =	vmul.f32 v51, v35  }
0x56: {  	v38 =	vadd.s32 $0x5, v38;
	v59 =	vld.idx.msk [tilespmem:v20+s10+$0x0], $0xffff;
	v51 =	vmul.f32 v57, v41;
	v45 =	vmul.f32 v31, v52  }
0x57: {  	v50 =	vld.idx.msk [tilespmem:v22+s10+$0x0], $0xffff;
	v24 =	vand.u32 $0x7FFFFFFF, v24;
	v26 =	vand.u32 $0x7FFFFFFF, v26;
	v28 =	vadd.f32 v29, v63  }
0x58: {  	v60 =	vadd.f32 v53, v49;
	v63 =	vmul.f32 v54, v46;
	v46 =	vmul.f32 v37, v55;
	v62 =	vld.idx.msk [tilespmem:v62+s2+$0x0], $0xffff  }
0x59: {  	v53 =	vmul.f32 v58, v36;
	v24 =	vadd.f32 v26, v24;
	v32 =	vld.idx.msk [tilespmem:v32+s2+$0x0], $0xffff;
	v30 =	vmul.f32 v33, v30  }
0x5a: {  	v54 =	vld.idx.msk [tilespmem:v23+s10+$0x0], $0xffff;
	v28 =	vand.u32 $0x7FFFFFFF, v28;
	v26 =	vadd.f32 v61, v60;
	v49 =	vadd.f32 v44, v63  }
0x5b: {  	v27 =	vmul.f32 v27, v47;
	v52 =	vld.idx.msk [tilespmem:v38+s2+$0x0], $0xffff;
	v24 =	vadd.f32 v28, v24;
	v28 =	vadd.f32 v46, v45  }
0x5c: {  	v56 =	vadd.f32 v53, v30;
	v26 =	vand.u32 $0x7FFFFFFF, v26;
	v55 =	vadd.f32 v51, v49  }
0x5d: {  	v25 =	vmul.f32 v59, v25;
	v24 =	vadd.f32 v26, v24;
	v27 =	vadd.f32 v27, v28  }
0x5e: {  	v57 =	vmul.f32 v48, v62;
	v58 =	vmul.f32 v50, v32;
	v26 =	vand.u32 $0x7FFFFFFF, v55  }
0x5f: {  	v25 =	vadd.f32 v25, v56;
	v24 =	vadd.f32 v26, v24  }
0x60: {  	v61 =	vmul.f32 v54, v52;
	v59 =	vand.u32 $0x7FFFFFFF, v27;
	v60 =	vadd.f32 v58, v57  }
0x61: {  	v24 =	vadd.f32 v59, v24  }
0x62: {  	v25 =	vand.u32 $0x7FFFFFFF, v25;
	v62 =	vadd.f32 v61, v60  }
0x63: {  	v24 =	vadd.f32 v25, v24  }
0x64: {  	v63 =	vand.u32 $0x7FFFFFFF, v62  }
0x65: {  	v24 =	vadd.f32 v63, v24  }
0x66: {  	p0 =	sne.s32 s7, $0x1  }
.Ltmp0:
0x67: {  	[tilespmem:$0x6380] =	vst v24;
	(pc) =	sbr.rel @p0 .LBB2_1-.Ltmp0, $4  }
0x68: {  	[hbm4b:s6+s2] =	stream.linear.scatter [tilespmem:s12], [sflag:$0x2], $0x80, $0x38;
	[tilespmem:$0x6400] =	vst v63  }
0x69: {  	_ =	swait.ge [sflag:s9], $0x80  }
0x6a: {  	[sflag:s9] =	ssyncset.done $0x0  }
0x6b: {  	s7 =	sadd.s32 $0xFFFFFFFF, s7;
	[sflag:s9] =	ssyncadd.s32 $0xFFFFFF80  }
0x6c: {  	_ =	sfence.sel $0x180000  }
0x6d: {  	[bflag:$0x0] =	sbarrier.arrive $0xFFFF  }
0x6e: {  	p0 =	sne.s32 s0, $0x0;
	_ =	strace $0x90000047  }
0x6f: {  	s0 =	sadd.s32 @!p0 $0x100000, s1;
	[bflag:$0x2] =	sbarrier.arrive $0xFFFF  }
0x70: {  	[sflag:s0] =	ssyncadd.tile.s32 @!p0 $0x1;
	_ =	shalt  }
.Lfunc_end2:
_tile_overlayer_lowered:
.L_overlay_start_2:
0x71: {  	(tag) =	ssettag $0x2  }
0x72: {  	s0 =	rddreg [dreg:$0x0];
	s2 =	stileid.u32  }
0x73: {  	s1 =	rddreg [dreg:$0x1];
	p0 =	sne.s32 s2, $0x0  }
0x74: {  	s3 =	rddreg [dreg:$0x2];
	[bflag:$0x3] =	sbarrier.arrive $0xFFFF;
	s2 =	simm.s32 @!p0 $0x1C02  }
0x75: {  	[timem:s3], [sflag:s2] =	dma.local @!p0 [hbm:s0], s1  }
0x76: {  	s0 =	simm.s32 @!p0 $0x2  }
0x77: {  	_ =	swait.ge @!p0 [sflag:s0], s1  }
0x78: {  	s1 =	ssub.s32 @!p0 $0x0, s1;
	[sflag:s0] =	ssyncset.done @!p0 $0x0  }
0x79: {  	[sflag:s0] =	ssyncadd.s32 @!p0 s1  }
0x7a: {  	[bflag:$0x3] =	sbarrier.arrive $0xFFFF  }
0x7b: {  	_ =	shalt  }

</sc_bundles>
